<compile_context>
chip_gen: v7x
topology: tpu7x:2x2x1
jax: 0.10.2.dev20260603
libtpu: 0.0.44.dev20260713+nightly
codegen_flags: <defaults>
</compile_context>

<pallas_src>
import functools

import jax
import jax.numpy as jnp
from jax import lax
from jax.experimental import pallas as pl
from jax.experimental.pallas import tpu as pltpu
from jax.experimental.pallas import tpu_sc as plsc

N_NODES = 10000
N_EDGES = 320000
D_IN = 128
D_H = D_IN // 2
D_E = 16

NC = 2
NS = 16
CH = 80
IDX_ROWS = N_EDGES // CH

EPW = N_EDGES // NS
NCH = EPW // CH
N_PAD = 10240
RPT = N_PAD // NS
ZR = 128

_SC_MESH = plsc.VectorSubcoreMesh(core_axis_name="c", subcore_axis_name="s")


def _sc_hagg_body(src2_hbm, dst2_hbm, nflo_hbm, nfhi_hbm, s_out, d_out,
                  src_all, dst_all, rows, ones_b, zbuf, zd, s_sh, d_sh, gsem):
    cid = lax.axis_index("c")
    sid = lax.axis_index("s")

    z16 = jnp.zeros((16,), jnp.float32)
    one16 = jnp.ones((16,), jnp.float32)

    def _zrow(i, _):
        for c in range(D_H // 16):
            zbuf[i, pl.ds(c * 16, 16)] = z16
        return _
    lax.fori_loop(0, ZR, _zrow, None)

    def _zdeg(i, _):
        zd[i] = z16
        return _
    lax.fori_loop(0, RPT, _zdeg, None)

    def _ones(i, _):
        ones_b[i] = one16
        return _
    lax.fori_loop(0, CH, _ones, None)

    pltpu.sync_copy(src2_hbm.at[pl.ds(sid * NCH, NCH)], src_all)
    pltpu.sync_copy(dst2_hbm.at[pl.ds(sid * NCH, NCH)], dst_all)

    for k in range(RPT // ZR):
        pltpu.sync_copy(zbuf, s_sh.at[pl.ds(sid * RPT + k * ZR, ZR)])
    pltpu.sync_copy(zd, d_sh.at[pl.ds(sid * RPT, RPT)])
    plsc.subcore_barrier()

    def _run(tbl, count_first_half):
        pltpu.async_copy(tbl.at[src_all.at[0]], rows.at[0], gsem)

        def _iter(j, _):
            b = lax.rem(j, 2)
            @pl.when(j + 1 < NCH)
            def _():
                pltpu.async_copy(tbl.at[src_all.at[j + 1]], rows.at[1 - b],
                                 gsem)
            pltpu.make_async_copy(tbl.at[src_all.at[j]], rows.at[b],
                                  gsem).wait()
            pltpu.sync_copy(rows.at[b], s_sh.at[dst_all.at[j]], add=True)

            @pl.when((j < NCH // 2) == count_first_half)
            def _():
                pltpu.sync_copy(ones_b, d_sh.at[dst_all.at[j]], add=True)
            return _
        lax.fori_loop(0, NCH, _iter, None)

    @pl.when(cid == 0)
    def _():
        _run(nflo_hbm, True)

    @pl.when(cid == 1)
    def _():
        _run(nfhi_hbm, False)

    plsc.subcore_barrier()

    rs = sid * RPT
    pltpu.sync_copy(s_sh.at[pl.ds(rs, RPT)],
                    s_out.at[pl.ds(rs, RPT), pl.ds(cid * D_H, D_H)])
    pltpu.sync_copy(d_sh.at[pl.ds(rs, RPT)],
                    d_out.at[pl.ds(rs, RPT), pl.ds(cid * 16, 16)])


_sc_hagg = pl.kernel(
    _sc_hagg_body,
    out_type=[jax.ShapeDtypeStruct((N_PAD, D_IN), jnp.float32),
              jax.ShapeDtypeStruct((N_PAD, 32), jnp.float32)],
    mesh=_SC_MESH,
    compiler_params=pltpu.CompilerParams(use_tc_tiling_on_sc=False),
    scratch_types=[
        pltpu.VMEM((NCH, CH), jnp.int32),
        pltpu.VMEM((NCH, CH), jnp.int32),
        pltpu.VMEM((2, CH, D_H), jnp.float32),
        pltpu.VMEM((CH, 16), jnp.float32),
        pltpu.VMEM((ZR, D_H), jnp.float32),
        pltpu.VMEM((RPT, 16), jnp.float32),
        pltpu.VMEM_SHARED((N_PAD, D_H), jnp.float32),
        pltpu.VMEM_SHARED((N_PAD, 16), jnp.float32),
        pltpu.SemaphoreType.DMA,
    ],
)


NW = NC * NS
EPW_F = N_EDGES // NW
NCH_F = EPW_F // CH


CR = CH * D_E // 128


def _sc_fasm_body(dep_hbm, src2_hbm, dst2_hbm, fni_hbm, fnj_hbm, ein_hbm,
                  f_out, src_all, dst_all, abuf, bbuf, cbuf, obuf, gsem):
    cid = lax.axis_index("c")
    sid = lax.axis_index("s")
    wid = sid * NC + cid
    base = wid * EPW_F
    rbase = base * D_E // 128

    pltpu.sync_copy(src2_hbm.at[pl.ds(wid * NCH_F, NCH_F)], src_all)
    pltpu.sync_copy(dst2_hbm.at[pl.ds(wid * NCH_F, NCH_F)], dst_all)

    def _start(j, b):
        pltpu.async_copy(fni_hbm.at[src_all.at[j]], abuf.at[b], gsem)
        pltpu.async_copy(fnj_hbm.at[dst_all.at[j]], bbuf.at[b], gsem)
        pltpu.async_copy(ein_hbm.at[pl.ds(rbase + j * CR, CR)], cbuf.at[b],
                         gsem)

    def _wait(j, b):
        pltpu.make_async_copy(fni_hbm.at[src_all.at[j]], abuf.at[b],
                              gsem).wait()
        pltpu.make_async_copy(fnj_hbm.at[dst_all.at[j]], bbuf.at[b],
                              gsem).wait()
        pltpu.make_async_copy(ein_hbm.at[pl.ds(rbase + j * CR, CR)],
                              cbuf.at[b], gsem).wait()

    _start(0, 0)

    def _iter(j, _):
        b = lax.rem(j, 2)

        @pl.when(j + 1 < NCH_F)
        def _():
            _start(j + 1, 1 - b)

        _wait(j, b)

        def _row(t, _):
            for r in range(8):
                i = t * 8 + r
                x = abuf[b, i] + bbuf[b, i] + cbuf[b, t, pl.ds(r * D_E, D_E)]
                obuf[b, t, pl.ds(r * D_E, D_E)] = jnp.maximum(x, x * 0.01)
            return _
        lax.fori_loop(0, CR, _row, None)

        pltpu.sync_copy(obuf.at[b], f_out.at[pl.ds(rbase + j * CR, CR)])
        return _
    lax.fori_loop(0, NCH_F, _iter, None)


_sc_fasm = pl.kernel(
    _sc_fasm_body,
    out_type=jax.ShapeDtypeStruct((N_EDGES * D_E // 128, 128), jnp.float32),
    mesh=_SC_MESH,
    compiler_params=pltpu.CompilerParams(use_tc_tiling_on_sc=False),
    scratch_types=[
        pltpu.VMEM((NCH_F, CH), jnp.int32),
        pltpu.VMEM((NCH_F, CH), jnp.int32),
        pltpu.VMEM((2, CH, D_E), jnp.float32),
        pltpu.VMEM((2, CH, D_E), jnp.float32),
        pltpu.VMEM((2, CR, 128), jnp.float32),
        pltpu.VMEM((2, CR, 128), jnp.float32),
        pltpu.SemaphoreType.DMA,
    ],
)


def _tc_node_tables_body(x_ref, wni_ref, wnj_ref, oni_ref, onj_ref):
    x = x_ref[...]
    dn = (((1,), (1,)), ((), ()))
    oni_ref[...] = lax.dot_general(x, wni_ref[...], dn,
                                   preferred_element_type=jnp.float32)
    onj_ref[...] = lax.dot_general(x, wnj_ref[...], dn,
                                   preferred_element_type=jnp.float32)


def _tc_node_tables(nfeats, W_ni, W_nj):
    blk = 1000
    return pl.pallas_call(
        _tc_node_tables_body,
        grid=(N_NODES // blk,),
        in_specs=[pl.BlockSpec((blk, D_IN), lambda i: (i, 0)),
                  pl.BlockSpec((D_E, D_IN), lambda i: (0, 0)),
                  pl.BlockSpec((D_E, D_IN), lambda i: (0, 0))],
        out_specs=[pl.BlockSpec((blk, D_E), lambda i: (i, 0)),
                   pl.BlockSpec((blk, D_E), lambda i: (i, 0))],
        out_shape=[jax.ShapeDtypeStruct((N_NODES, D_E), jnp.float32),
                   jax.ShapeDtypeStruct((N_NODES, D_E), jnp.float32)],
    )(nfeats, W_ni, W_nj)


E_ROWS = N_EDGES * D_E // 128


def _tc_edge_proj_body(e_ref, w_ref, b_ref, o_ref):
    dn = (((1,), (0,)), ((), ()))
    o_ref[...] = lax.dot_general(e_ref[...], w_ref[...], dn,
                                 preferred_element_type=jnp.float32) + b_ref[...]


def _tc_edge_proj(e128, bd, b128):
    blk = 2000
    return pl.pallas_call(
        _tc_edge_proj_body,
        grid=(E_ROWS // blk,),
        in_specs=[pl.BlockSpec((blk, 128), lambda i: (i, 0)),
                  pl.BlockSpec((128, 128), lambda i: (0, 0)),
                  pl.BlockSpec((1, 128), lambda i: (0, 0))],
        out_specs=pl.BlockSpec((blk, 128), lambda i: (i, 0)),
        out_shape=jax.ShapeDtypeStruct((E_ROWS, 128), jnp.float32),
    )(e128, bd, b128)


def _tc_node_out_body(s_ref, d_ref, w_ref, b_ref, o_ref):
    deg = d_ref[:, 0:1] + d_ref[:, 16:17]
    acc = lax.dot_general(s_ref[...], w_ref[...], (((1,), (1,)), ((), ())),
                          preferred_element_type=jnp.float32)
    o_ref[...] = acc / jnp.maximum(deg, 1.0) + jnp.where(deg > 0.0,
                                                         b_ref[...], 0.0)


def _tc_node_out(s2, d2, W_node, b_node):
    blk = 1000
    return pl.pallas_call(
        _tc_node_out_body,
        grid=(N_NODES // blk,),
        in_specs=[pl.BlockSpec((blk, D_IN), lambda i: (i, 0)),
                  pl.BlockSpec((blk, 32), lambda i: (i, 0)),
                  pl.BlockSpec((D_IN, D_IN), lambda i: (0, 0)),
                  pl.BlockSpec((1, D_IN), lambda i: (0, 0))],
        out_specs=pl.BlockSpec((blk, D_IN), lambda i: (i, 0)),
        out_shape=jax.ShapeDtypeStruct((N_NODES, D_IN), jnp.float32),
    )(s2, d2, W_node, b_node)


def kernel(nfeats, efeats, edge_index, W_node, b_node, W_ni, W_nj, W_fij, bias_e):
    src2 = edge_index[0].reshape(IDX_ROWS, CH)
    dst2 = edge_index[1].reshape(IDX_ROWS, CH)
    nf_lo = nfeats[:, :D_H]
    nf_hi = nfeats[:, D_H:]

    s2, d2 = _sc_hagg(src2, dst2, nf_lo, nf_hi)
    f_ni, f_nj = _tc_node_tables(nfeats, W_ni, W_nj)
    e128 = efeats.reshape(E_ROWS, 128)
    bd = jnp.kron(jnp.eye(8, dtype=jnp.float32), W_fij.T)
    b128 = jnp.tile(bias_e, 8).reshape(1, 128)
    e_in = _tc_edge_proj(e128, bd, b128)
    h_out = _tc_node_out(s2, d2, W_node, b_node.reshape(1, D_IN))
    dep = lax.slice(h_out, (0, 0), (8, 16))
    f128 = _sc_fasm(dep, src2, dst2, f_ni, f_nj, e_in)
    return h_out, f128.reshape(N_EDGES, D_E)

# --- scband reference (transcript-rebuilt; emitter-appended) ---
"""Pipeline reference for scband-egcnconv-53755810676780 (READ-ONLY COPY).

The authoritative reference and input builder live on the scoring server;
editing this copy changes nothing except your own understanding.
"""

import jax, jax.numpy as jnp
import numpy as np

N = 10000
E = 320000
D_IN = 128
D_E_IN = 16
D_OUT = 128
D_E_OUT = 16


def _xavier(key, shape, gain=1.4142135623730951):
    fan_out, fan_in = shape
    std = gain * np.sqrt(2.0 / (fan_in + fan_out))
    return jax.random.normal(key, shape, dtype=jnp.float32) * std


def setup_inputs(seed: int = 0) -> dict:
    key = jax.random.key(seed)
    ks = jax.random.split(key, 8)
    nfeats = jax.random.normal(ks[0], (N, D_IN), dtype=jnp.float32)
    efeats = jax.random.normal(ks[1], (E, D_E_IN), dtype=jnp.float32)
    edge_index = jax.random.randint(ks[2], (2, E), 0, N, dtype=jnp.int32)
    W_node = _xavier(ks[3], (D_OUT, D_IN))
    b_node = jnp.zeros((D_OUT,), dtype=jnp.float32)
    W_ni = _xavier(ks[4], (D_E_OUT, D_IN))
    W_nj = _xavier(ks[5], (D_E_OUT, D_IN))
    W_fij = _xavier(ks[6], (D_E_OUT, D_E_IN))
    bias_e = jnp.zeros((D_E_OUT,), dtype=jnp.float32)
    return {
        'nfeats': nfeats,
        'efeats': efeats,
        'edge_index': edge_index,
        'W_node': W_node,
        'b_node': b_node,
        'W_ni': W_ni,
        'W_nj': W_nj,
        'W_fij': W_fij,
        'bias_e': bias_e,
    }


def reference(nfeats, efeats, edge_index, W_node, b_node, W_ni, W_nj, W_fij, bias_e):
    src = edge_index[0]
    dst = edge_index[1]
    # edge feature update
    f_ni = nfeats @ W_ni.T          # [N, D_E_OUT]
    f_nj = nfeats @ W_nj.T          # [N, D_E_OUT]
    f_fij = efeats @ W_fij.T        # [E, D_E_OUT]
    f_tmp = jnp.take(f_ni, src, axis=0) + jnp.take(f_nj, dst, axis=0)  # u_add_v
    f_out = f_tmp + f_fij + bias_e
    f_out = jax.nn.leaky_relu(f_out, negative_slope=0.01)
    f_out = f_out.reshape(-1, D_E_OUT)
    # node feature update: mean over incoming edges of h_out[src] * a (a == 1)
    h_node = nfeats @ W_node.T + b_node  # [N, D_OUT]
    m = jnp.take(h_node, src, axis=0)    # [E, D_OUT]
    agg = jax.ops.segment_sum(m, dst, num_segments=N)
    deg = jax.ops.segment_sum(jnp.ones((E, 1), dtype=jnp.float32), dst, num_segments=N)
    h_out = agg / jnp.maximum(deg, 1.0)
    h_out = h_out.reshape(-1, D_OUT)
    return h_out, f_out

if __name__ == "__main__":
    import jax
    _d = setup_inputs()
    print(jax.jit(kernel)(*tuple(_d.values())))

</pallas_src>

<mosaic_0001>
#map = affine_map<(d0, d1) -> (0, 0)>
module attributes {stable_mosaic.version = 14 : i64} {
  func.func @_sc_hagg_body(%arg0: i32, %arg1: i32, %arg2: memref<4000x80xi32, #tpu.memory_space<hbm>>, %arg3: memref<4000x80xi32, #tpu.memory_space<hbm>>, %arg4: memref<10000x64xf32, #tpu.memory_space<hbm>>, %arg5: memref<10000x64xf32, #tpu.memory_space<hbm>>, %arg6: memref<10240x128xf32, #tpu.memory_space<hbm>>, %arg7: memref<10240x32xf32, #tpu.memory_space<hbm>>, %arg8: memref<250x80xi32, #tpu.memory_space<vmem>>, %arg9: memref<250x80xi32, #tpu.memory_space<vmem>>, %arg10: memref<2x80x64xf32, #tpu.memory_space<vmem>>, %arg11: memref<80x16xf32, #tpu.memory_space<vmem>>, %arg12: memref<128x64xf32, #tpu.memory_space<vmem>>, %arg13: memref<640x16xf32, #tpu.memory_space<vmem>>, %arg14: memref<10240x64xf32, #tpu.memory_space<vmem_shared>>, %arg15: memref<10240x16xf32, #tpu.memory_space<vmem_shared>>, %arg16: memref<!tpu.dma_semaphore, #tpu.memory_space<semaphore_mem>>) attributes {dimension_semantics = [#tpu.dimension_semantics<core_parallel>, #tpu.dimension_semantics<subcore_parallel>], iteration_bounds = array<i64: 2, 16>, scalar_prefetch = 0 : i64, scratch_operands = 9 : i64, tpu.core_type = #tpu.core_type<sc_vector_subcore>, window_params = [{transform_indices = #map}, {transform_indices = #map}, {transform_indices = #map}, {transform_indices = #map}, {transform_indices = #map}, {transform_indices = #map}]} {
    %broadcast_in_dim3A = arith.constant 0.000000e+00 : f32
    %broadcast_in_dim3A_0 = vector.broadcast %broadcast_in_dim3A : f32 to vector<16xf32>
    %broadcast_in_dim3A_1 = arith.constant 1.000000e+00 : f32
    %broadcast_in_dim3A_2 = vector.broadcast %broadcast_in_dim3A_1 : f32 to vector<16xf32>
    %scan3A = arith.constant 0 : i32
    %scan3A_3 = arith.constant 128 : i32
    %scan3A_4 = arith.addi %scan3A, %scan3A_3 : i32
    %scan3A_5 = arith.constant 1 : i32
    scf.for %scan3A_55 = %scan3A to %scan3A_4 step %scan3A_5  : i32 {
      %swap3A = arith.index_cast %scan3A_55 : i32 to index
      %swap3A_56 = arith.constant 0 : index
      %swap3A_57 = tpu.vector_load %arg12[%swap3A, %swap3A_56] {strides = array<i32>} : memref<128x64xf32, #tpu.memory_space<vmem>>, vector<1x16xf32>,
      %swap3A_58 = vector.shape_cast %swap3A_57 : vector<1x16xf32> to vector<16xf32>
      %swap3A_59 = vector.shape_cast %broadcast_in_dim3A_0 : vector<16xf32> to vector<1x16xf32>
      tpu.vector_store %arg12[%swap3A, %swap3A_56], %swap3A_59 {strides = array<i32>} : memref<128x64xf32, #tpu.memory_space<vmem>>, vector<1x16xf32>,
      %swap3A_60 = arith.index_cast %scan3A_55 : i32 to index
      %swap3A_61 = arith.constant 16 : index
      %swap3A_62 = tpu.vector_load %arg12[%swap3A_60, %swap3A_61] {strides = array<i32>} : memref<128x64xf32, #tpu.memory_space<vmem>>, vector<1x16xf32>,
      %swap3A_63 = vector.shape_cast %swap3A_62 : vector<1x16xf32> to vector<16xf32>
      %swap3A_64 = vector.shape_cast %broadcast_in_dim3A_0 : vector<16xf32> to vector<1x16xf32>
      tpu.vector_store %arg12[%swap3A_60, %swap3A_61], %swap3A_64 {strides = array<i32>} : memref<128x64xf32, #tpu.memory_space<vmem>>, vector<1x16xf32>,
      %swap3A_65 = arith.index_cast %scan3A_55 : i32 to index
      %swap3A_66 = arith.constant 32 : index
      %swap3A_67 = tpu.vector_load %arg12[%swap3A_65, %swap3A_66] {strides = array<i32>} : memref<128x64xf32, #tpu.memory_space<vmem>>, vector<1x16xf32>,
      %swap3A_68 = vector.shape_cast %swap3A_67 : vector<1x16xf32> to vector<16xf32>
      %swap3A_69 = vector.shape_cast %broadcast_in_dim3A_0 : vector<16xf32> to vector<1x16xf32>
      tpu.vector_store %arg12[%swap3A_65, %swap3A_66], %swap3A_69 {strides = array<i32>} : memref<128x64xf32, #tpu.memory_space<vmem>>, vector<1x16xf32>,
      %swap3A_70 = arith.index_cast %scan3A_55 : i32 to index
      %swap3A_71 = arith.constant 48 : index
      %swap3A_72 = tpu.vector_load %arg12[%swap3A_70, %swap3A_71] {strides = array<i32>} : memref<128x64xf32, #tpu.memory_space<vmem>>, vector<1x16xf32>,
      %swap3A_73 = vector.shape_cast %swap3A_72 : vector<1x16xf32> to vector<16xf32>
      %swap3A_74 = vector.shape_cast %broadcast_in_dim3A_0 : vector<16xf32> to vector<1x16xf32>
      tpu.vector_store %arg12[%swap3A_70, %swap3A_71], %swap3A_74 {strides = array<i32>} : memref<128x64xf32, #tpu.memory_space<vmem>>, vector<1x16xf32>,
    }
    %scan3A_6 = arith.constant 128 : i32
    %scan3A_7 = arith.constant 0 : i32
    %scan3A_8 = arith.constant 640 : i32
    %scan3A_9 = arith.addi %scan3A_7, %scan3A_8 : i32
    %scan3A_10 = arith.constant 1 : i32
    scf.for %scan3A_55 = %scan3A_7 to %scan3A_9 step %scan3A_10  : i32 {
      %swap3A = arith.index_cast %scan3A_55 : i32 to index
      %swap3A_56 = arith.constant 0 : index
      %swap3A_57 = tpu.vector_load %arg13[%swap3A, %swap3A_56] {strides = array<i32>} : memref<640x16xf32, #tpu.memory_space<vmem>>, vector<1x16xf32>,
      %swap3A_58 = vector.shape_cast %swap3A_57 : vector<1x16xf32> to vector<16xf32>
      %swap3A_59 = vector.shape_cast %broadcast_in_dim3A_0 : vector<16xf32> to vector<1x16xf32>
      tpu.vector_store %arg13[%swap3A, %swap3A_56], %swap3A_59 {strides = array<i32>} : memref<640x16xf32, #tpu.memory_space<vmem>>, vector<1x16xf32>,
    }
    %scan3A_11 = arith.constant 640 : i32
    %scan3A_12 = arith.constant 0 : i32
    %scan3A_13 = arith.constant 80 : i32
    %scan3A_14 = arith.addi %scan3A_12, %scan3A_13 : i32
    %scan3A_15 = arith.constant 1 : i32
    scf.for %scan3A_55 = %scan3A_12 to %scan3A_14 step %scan3A_15  : i32 {
      %swap3A = arith.index_cast %scan3A_55 : i32 to index
      %swap3A_56 = arith.constant 0 : index
      %swap3A_57 = tpu.vector_load %arg11[%swap3A, %swap3A_56] {strides = array<i32>} : memref<80x16xf32, #tpu.memory_space<vmem>>, vector<1x16xf32>,
      %swap3A_58 = vector.shape_cast %swap3A_57 : vector<1x16xf32> to vector<16xf32>
      %swap3A_59 = vector.shape_cast %broadcast_in_dim3A_2 : vector<16xf32> to vector<1x16xf32>
      tpu.vector_store %arg11[%swap3A, %swap3A_56], %swap3A_59 {strides = array<i32>} : memref<80x16xf32, #tpu.memory_space<vmem>>, vector<1x16xf32>,
    }
    %scan3A_16 = arith.constant 80 : i32
    %mul3A = arith.constant 250 : i32
    %mul3A_17 = arith.muli %arg1, %mul3A : i32
    "tpu.region"() ({
      %run_scoped3A = tpu.sem_alloc : memref<!tpu.dma_semaphore, #tpu.memory_space<semaphore_mem>>
      %dma_start3A = arith.constant 0 : i32
      %dma_start3A_55 = tpu.memref_slice %arg2[%mul3A_17, %dma_start3A] : memref<4000x80xi32, #tpu.memory_space<hbm>> -> memref<250x80xi32, #tpu.memory_space<hbm>>
      %dma_start3A_56 = arith.constant 0 : i32
      %dma_start3A_57 = tpu.memref_slice %arg2[%mul3A_17, %dma_start3A_56] : memref<4000x80xi32, #tpu.memory_space<hbm>> -> memref<250x80xi32, #tpu.memory_space<hbm>>
      tpu.enqueue_dma source(%dma_start3A_57 : memref<250x80xi32, #tpu.memory_space<hbm>>) target(%arg8 : memref<250x80xi32, #tpu.memory_space<vmem>>) target_semaphore(%run_scoped3A : memref<!tpu.dma_semaphore, #tpu.memory_space<semaphore_mem>>)
      %dma_wait3A = arith.constant 0 : i32
      %dma_wait3A_58 = tpu.memref_slice %arg2[%mul3A_17, %dma_wait3A] : memref<4000x80xi32, #tpu.memory_space<hbm>> -> memref<250x80xi32, #tpu.memory_space<hbm>>
      %dma_wait3A_59 = arith.constant 0 : i32
      %dma_wait3A_60 = tpu.memref_slice %arg2[%mul3A_17, %dma_wait3A_59] : memref<4000x80xi32, #tpu.memory_space<hbm>> -> memref<250x80xi32, #tpu.memory_space<hbm>>
      tpu.wait_dma2 semaphore(%run_scoped3A : memref<!tpu.dma_semaphore, #tpu.memory_space<semaphore_mem>>) src(%dma_wait3A_60 : memref<250x80xi32, #tpu.memory_space<hbm>>) dst(%arg8 : memref<250x80xi32, #tpu.memory_space<vmem>>)
      tpu.yield
    }) : () -> ()
    %mul3A_18 = arith.constant 250 : i32
    %mul3A_19 = arith.muli %arg1, %mul3A_18 : i32
    "tpu.region"() ({
      %run_scoped3A = tpu.sem_alloc : memref<!tpu.dma_semaphore, #tpu.memory_space<semaphore_mem>>
      %dma_start3A = arith.constant 0 : i32
      %dma_start3A_55 = tpu.memref_slice %arg3[%mul3A_19, %dma_start3A] : memref<4000x80xi32, #tpu.memory_space<hbm>> -> memref<250x80xi32, #tpu.memory_space<hbm>>
      %dma_start3A_56 = arith.constant 0 : i32
      %dma_start3A_57 = tpu.memref_slice %arg3[%mul3A_19, %dma_start3A_56] : memref<4000x80xi32, #tpu.memory_space<hbm>> -> memref<250x80xi32, #tpu.memory_space<hbm>>
      tpu.enqueue_dma source(%dma_start3A_57 : memref<250x80xi32, #tpu.memory_space<hbm>>) target(%arg9 : memref<250x80xi32, #tpu.memory_space<vmem>>) target_semaphore(%run_scoped3A : memref<!tpu.dma_semaphore, #tpu.memory_space<semaphore_mem>>)
      %dma_wait3A = arith.constant 0 : i32
      %dma_wait3A_58 = tpu.memref_slice %arg3[%mul3A_19, %dma_wait3A] : memref<4000x80xi32, #tpu.memory_space<hbm>> -> memref<250x80xi32, #tpu.memory_space<hbm>>
      %dma_wait3A_59 = arith.constant 0 : i32
      %dma_wait3A_60 = tpu.memref_slice %arg3[%mul3A_19, %dma_wait3A_59] : memref<4000x80xi32, #tpu.memory_space<hbm>> -> memref<250x80xi32, #tpu.memory_space<hbm>>
      tpu.wait_dma2 semaphore(%run_scoped3A : memref<!tpu.dma_semaphore, #tpu.memory_space<semaphore_mem>>) src(%dma_wait3A_60 : memref<250x80xi32, #tpu.memory_space<hbm>>) dst(%arg9 : memref<250x80xi32, #tpu.memory_space<vmem>>)
      tpu.yield
    }) : () -> ()
    %mul3A_20 = arith.constant 640 : i32
    %mul3A_21 = arith.muli %arg1, %mul3A_20 : i32
    %add3A = arith.constant 0 : i32
    %add3A_22 = arith.addi %mul3A_21, %add3A : i32
    "tpu.region"() ({
      %run_scoped3A = tpu.sem_alloc : memref<!tpu.dma_semaphore, #tpu.memory_space<semaphore_mem>>
      %dma_start3A = arith.constant 0 : i32
      %dma_start3A_55 = tpu.memref_slice %arg14[%add3A_22, %dma_start3A] : memref<10240x64xf32, #tpu.memory_space<vmem_shared>> -> memref<128x64xf32, #tpu.memory_space<vmem_shared>>
      %dma_start3A_56 = arith.constant 0 : i32
      %dma_start3A_57 = tpu.memref_slice %arg14[%add3A_22, %dma_start3A_56] : memref<10240x64xf32, #tpu.memory_space<vmem_shared>> -> memref<128x64xf32, #tpu.memory_space<vmem_shared>>
      tpu.enqueue_dma source(%arg12 : memref<128x64xf32, #tpu.memory_space<vmem>>) target(%dma_start3A_57 : memref<128x64xf32, #tpu.memory_space<vmem_shared>>) target_semaphore(%run_scoped3A : memref<!tpu.dma_semaphore, #tpu.memory_space<semaphore_mem>>)
      %dma_wait3A = arith.constant 0 : i32
      %dma_wait3A_58 = tpu.memref_slice %arg14[%add3A_22, %dma_wait3A] : memref<10240x64xf32, #tpu.memory_space<vmem_shared>> -> memref<128x64xf32, #tpu.memory_space<vmem_shared>>
      %dma_wait3A_59 = arith.constant 0 : i32
      %dma_wait3A_60 = tpu.memref_slice %arg14[%add3A_22, %dma_wait3A_59] : memref<10240x64xf32, #tpu.memory_space<vmem_shared>> -> memref<128x64xf32, #tpu.memory_space<vmem_shared>>
      tpu.wait_dma2 semaphore(%run_scoped3A : memref<!tpu.dma_semaphore, #tpu.memory_space<semaphore_mem>>) src(%arg12 : memref<128x64xf32, #tpu.memory_space<vmem>>) dst(%dma_wait3A_60 : memref<128x64xf32, #tpu.memory_space<vmem_shared>>)
      tpu.yield
    }) : () -> ()
    %mul3A_23 = arith.constant 640 : i32
    %mul3A_24 = arith.muli %arg1, %mul3A_23 : i32
    %add3A_25 = arith.constant 128 : i32
    %add3A_26 = arith.addi %mul3A_24, %add3A_25 : i32
    "tpu.region"() ({
      %run_scoped3A = tpu.sem_alloc : memref<!tpu.dma_semaphore, #tpu.memory_space<semaphore_mem>>
      %dma_start3A = arith.constant 0 : i32
      %dma_start3A_55 = tpu.memref_slice %arg14[%add3A_26, %dma_start3A] : memref<10240x64xf32, #tpu.memory_space<vmem_shared>> -> memref<128x64xf32, #tpu.memory_space<vmem_shared>>
      %dma_start3A_56 = arith.constant 0 : i32
      %dma_start3A_57 = tpu.memref_slice %arg14[%add3A_26, %dma_start3A_56] : memref<10240x64xf32, #tpu.memory_space<vmem_shared>> -> memref<128x64xf32, #tpu.memory_space<vmem_shared>>
      tpu.enqueue_dma source(%arg12 : memref<128x64xf32, #tpu.memory_space<vmem>>) target(%dma_start3A_57 : memref<128x64xf32, #tpu.memory_space<vmem_shared>>) target_semaphore(%run_scoped3A : memref<!tpu.dma_semaphore, #tpu.memory_space<semaphore_mem>>)
      %dma_wait3A = arith.constant 0 : i32
      %dma_wait3A_58 = tpu.memref_slice %arg14[%add3A_26, %dma_wait3A] : memref<10240x64xf32, #tpu.memory_space<vmem_shared>> -> memref<128x64xf32, #tpu.memory_space<vmem_shared>>
      %dma_wait3A_59 = arith.constant 0 : i32
      %dma_wait3A_60 = tpu.memref_slice %arg14[%add3A_26, %dma_wait3A_59] : memref<10240x64xf32, #tpu.memory_space<vmem_shared>> -> memref<128x64xf32, #tpu.memory_space<vmem_shared>>
      tpu.wait_dma2 semaphore(%run_scoped3A : memref<!tpu.dma_semaphore, #tpu.memory_space<semaphore_mem>>) src(%arg12 : memref<128x64xf32, #tpu.memory_space<vmem>>) dst(%dma_wait3A_60 : memref<128x64xf32, #tpu.memory_space<vmem_shared>>)
      tpu.yield
    }) : () -> ()
    %mul3A_27 = arith.constant 640 : i32
    %mul3A_28 = arith.muli %arg1, %mul3A_27 : i32
    %add3A_29 = arith.constant 256 : i32
    %add3A_30 = arith.addi %mul3A_28, %add3A_29 : i32
    "tpu.region"() ({
      %run_scoped3A = tpu.sem_alloc : memref<!tpu.dma_semaphore, #tpu.memory_space<semaphore_mem>>
      %dma_start3A = arith.constant 0 : i32
      %dma_start3A_55 = tpu.memref_slice %arg14[%add3A_30, %dma_start3A] : memref<10240x64xf32, #tpu.memory_space<vmem_shared>> -> memref<128x64xf32, #tpu.memory_space<vmem_shared>>
      %dma_start3A_56 = arith.constant 0 : i32
      %dma_start3A_57 = tpu.memref_slice %arg14[%add3A_30, %dma_start3A_56] : memref<10240x64xf32, #tpu.memory_space<vmem_shared>> -> memref<128x64xf32, #tpu.memory_space<vmem_shared>>
      tpu.enqueue_dma source(%arg12 : memref<128x64xf32, #tpu.memory_space<vmem>>) target(%dma_start3A_57 : memref<128x64xf32, #tpu.memory_space<vmem_shared>>) target_semaphore(%run_scoped3A : memref<!tpu.dma_semaphore, #tpu.memory_space<semaphore_mem>>)
      %dma_wait3A = arith.constant 0 : i32
      %dma_wait3A_58 = tpu.memref_slice %arg14[%add3A_30, %dma_wait3A] : memref<10240x64xf32, #tpu.memory_space<vmem_shared>> -> memref<128x64xf32, #tpu.memory_space<vmem_shared>>
      %dma_wait3A_59 = arith.constant 0 : i32
      %dma_wait3A_60 = tpu.memref_slice %arg14[%add3A_30, %dma_wait3A_59] : memref<10240x64xf32, #tpu.memory_space<vmem_shared>> -> memref<128x64xf32, #tpu.memory_space<vmem_shared>>
      tpu.wait_dma2 semaphore(%run_scoped3A : memref<!tpu.dma_semaphore, #tpu.memory_space<semaphore_mem>>) src(%arg12 : memref<128x64xf32, #tpu.memory_space<vmem>>) dst(%dma_wait3A_60 : memref<128x64xf32, #tpu.memory_space<vmem_shared>>)
      tpu.yield
    }) : () -> ()
    %mul3A_31 = arith.constant 640 : i32
    %mul3A_32 = arith.muli %arg1, %mul3A_31 : i32
    %add3A_33 = arith.constant 384 : i32
    %add3A_34 = arith.addi %mul3A_32, %add3A_33 : i32
    "tpu.region"() ({
      %run_scoped3A = tpu.sem_alloc : memref<!tpu.dma_semaphore, #tpu.memory_space<semaphore_mem>>
      %dma_start3A = arith.constant 0 : i32
      %dma_start3A_55 = tpu.memref_slice %arg14[%add3A_34, %dma_start3A] : memref<10240x64xf32, #tpu.memory_space<vmem_shared>> -> memref<128x64xf32, #tpu.memory_space<vmem_shared>>
      %dma_start3A_56 = arith.constant 0 : i32
      %dma_start3A_57 = tpu.memref_slice %arg14[%add3A_34, %dma_start3A_56] : memref<10240x64xf32, #tpu.memory_space<vmem_shared>> -> memref<128x64xf32, #tpu.memory_space<vmem_shared>>
      tpu.enqueue_dma source(%arg12 : memref<128x64xf32, #tpu.memory_space<vmem>>) target(%dma_start3A_57 : memref<128x64xf32, #tpu.memory_space<vmem_shared>>) target_semaphore(%run_scoped3A : memref<!tpu.dma_semaphore, #tpu.memory_space<semaphore_mem>>)
      %dma_wait3A = arith.constant 0 : i32
      %dma_wait3A_58 = tpu.memref_slice %arg14[%add3A_34, %dma_wait3A] : memref<10240x64xf32, #tpu.memory_space<vmem_shared>> -> memref<128x64xf32, #tpu.memory_space<vmem_shared>>
      %dma_wait3A_59 = arith.constant 0 : i32
      %dma_wait3A_60 = tpu.memref_slice %arg14[%add3A_34, %dma_wait3A_59] : memref<10240x64xf32, #tpu.memory_space<vmem_shared>> -> memref<128x64xf32, #tpu.memory_space<vmem_shared>>
      tpu.wait_dma2 semaphore(%run_scoped3A : memref<!tpu.dma_semaphore, #tpu.memory_space<semaphore_mem>>) src(%arg12 : memref<128x64xf32, #tpu.memory_space<vmem>>) dst(%dma_wait3A_60 : memref<128x64xf32, #tpu.memory_space<vmem_shared>>)
      tpu.yield
    }) : () -> ()
    %mul3A_35 = arith.constant 640 : i32
    %mul3A_36 = arith.muli %arg1, %mul3A_35 : i32
    %add3A_37 = arith.constant 512 : i32
    %add3A_38 = arith.addi %mul3A_36, %add3A_37 : i32
    "tpu.region"() ({
      %run_scoped3A = tpu.sem_alloc : memref<!tpu.dma_semaphore, #tpu.memory_space<semaphore_mem>>
      %dma_start3A = arith.constant 0 : i32
      %dma_start3A_55 = tpu.memref_slice %arg14[%add3A_38, %dma_start3A] : memref<10240x64xf32, #tpu.memory_space<vmem_shared>> -> memref<128x64xf32, #tpu.memory_space<vmem_shared>>
      %dma_start3A_56 = arith.constant 0 : i32
      %dma_start3A_57 = tpu.memref_slice %arg14[%add3A_38, %dma_start3A_56] : memref<10240x64xf32, #tpu.memory_space<vmem_shared>> -> memref<128x64xf32, #tpu.memory_space<vmem_shared>>
      tpu.enqueue_dma source(%arg12 : memref<128x64xf32, #tpu.memory_space<vmem>>) target(%dma_start3A_57 : memref<128x64xf32, #tpu.memory_space<vmem_shared>>) target_semaphore(%run_scoped3A : memref<!tpu.dma_semaphore, #tpu.memory_space<semaphore_mem>>)
      %dma_wait3A = arith.constant 0 : i32
      %dma_wait3A_58 = tpu.memref_slice %arg14[%add3A_38, %dma_wait3A] : memref<10240x64xf32, #tpu.memory_space<vmem_shared>> -> memref<128x64xf32, #tpu.memory_space<vmem_shared>>
      %dma_wait3A_59 = arith.constant 0 : i32
      %dma_wait3A_60 = tpu.memref_slice %arg14[%add3A_38, %dma_wait3A_59] : memref<10240x64xf32, #tpu.memory_space<vmem_shared>> -> memref<128x64xf32, #tpu.memory_space<vmem_shared>>
      tpu.wait_dma2 semaphore(%run_scoped3A : memref<!tpu.dma_semaphore, #tpu.memory_space<semaphore_mem>>) src(%arg12 : memref<128x64xf32, #tpu.memory_space<vmem>>) dst(%dma_wait3A_60 : memref<128x64xf32, #tpu.memory_space<vmem_shared>>)
      tpu.yield
    }) : () -> ()
    %mul3A_39 = arith.constant 640 : i32
    %mul3A_40 = arith.muli %arg1, %mul3A_39 : i32
    "tpu.region"() ({
      %run_scoped3A = tpu.sem_alloc : memref<!tpu.dma_semaphore, #tpu.memory_space<semaphore_mem>>
      %dma_start3A = arith.constant 0 : i32
      %dma_start3A_55 = tpu.memref_slice %arg15[%mul3A_40, %dma_start3A] : memref<10240x16xf32, #tpu.memory_space<vmem_shared>> -> memref<640x16xf32, #tpu.memory_space<vmem_shared>>
      %dma_start3A_56 = arith.constant 0 : i32
      %dma_start3A_57 = tpu.memref_slice %arg15[%mul3A_40, %dma_start3A_56] : memref<10240x16xf32, #tpu.memory_space<vmem_shared>> -> memref<640x16xf32, #tpu.memory_space<vmem_shared>>
      tpu.enqueue_dma source(%arg13 : memref<640x16xf32, #tpu.memory_space<vmem>>) target(%dma_start3A_57 : memref<640x16xf32, #tpu.memory_space<vmem_shared>>) target_semaphore(%run_scoped3A : memref<!tpu.dma_semaphore, #tpu.memory_space<semaphore_mem>>)
      %dma_wait3A = arith.constant 0 : i32
      %dma_wait3A_58 = tpu.memref_slice %arg15[%mul3A_40, %dma_wait3A] : memref<10240x16xf32, #tpu.memory_space<vmem_shared>> -> memref<640x16xf32, #tpu.memory_space<vmem_shared>>
      %dma_wait3A_59 = arith.constant 0 : i32
      %dma_wait3A_60 = tpu.memref_slice %arg15[%mul3A_40, %dma_wait3A_59] : memref<10240x16xf32, #tpu.memory_space<vmem_shared>> -> memref<640x16xf32, #tpu.memory_space<vmem_shared>>
      tpu.wait_dma2 semaphore(%run_scoped3A : memref<!tpu.dma_semaphore, #tpu.memory_space<semaphore_mem>>) src(%arg13 : memref<640x16xf32, #tpu.memory_space<vmem>>) dst(%dma_wait3A_60 : memref<640x16xf32, #tpu.memory_space<vmem_shared>>)
      tpu.yield
    }) : () -> ()
    %barrier3A = arith.constant 0 : index
    tpu.barrier barrier_id(%barrier3A)
    %eq3A = arith.constant 0 : i32
    %eq3A_41 = arith.cmpi eq, %arg0, %eq3A : i32
    %convert_element_type3A = arith.extui %eq3A_41 : i1 to i32
    %cond3A = arith.constant 0 : i32
    %cond3A_42 = arith.cmpi ne, %convert_element_type3A, %cond3A : i32
    scf.if %cond3A_42 {
      %dma_start3A = arith.constant 0 : i32
      %dma_start3A_55 = arith.constant 0 : i32
      %dma_start3A_56 = arith.constant 0 : i32
      %dma_start3A_57 = arith.constant 0 : i32
      %dma_start3A_58 = tpu.memref_slice %arg10[%dma_start3A_55, %dma_start3A_56, %dma_start3A_57] : memref<2x80x64xf32, #tpu.memory_space<vmem>> -> memref<1x80x64xf32, #tpu.memory_space<vmem>>
      %dma_start3A_59 = tpu.memref_squeeze %dma_start3A_58 : memref<1x80x64xf32, #tpu.memory_space<vmem>> -> memref<80x64xf32, #tpu.memory_space<vmem>>
      %dma_start3A_60 = arith.constant 0 : i32
      %dma_start3A_61 = tpu.memref_slice %arg8[%dma_start3A, %dma_start3A_60] : memref<250x80xi32, #tpu.memory_space<vmem>> -> memref<1x80xi32, #tpu.memory_space<vmem>>
      %dma_start3A_62 = tpu.memref_squeeze %dma_start3A_61 : memref<1x80xi32, #tpu.memory_space<vmem>> -> memref<80xi32, #tpu.memory_space<vmem>>
      %dma_start3A_63 = arith.constant 0 : i32
      %dma_start3A_64 = arith.constant 0 : i32
      %dma_start3A_65 = tpu.memref_slice %arg4[%dma_start3A_63, %dma_start3A_64] : memref<10000x64xf32, #tpu.memory_space<hbm>> -> memref<10000x64xf32, #tpu.memory_space<hbm>>
      tpu.enqueue_indirect_dma source(%dma_start3A_65 : memref<10000x64xf32, #tpu.memory_space<hbm>>) target(%dma_start3A_59 : memref<80x64xf32, #tpu.memory_space<vmem>>) offsets(%dma_start3A_62 : memref<80xi32, #tpu.memory_space<vmem>>) semaphore(%arg16 : memref<!tpu.dma_semaphore, #tpu.memory_space<semaphore_mem>>)
      %scan3A_66 = arith.constant 0 : i32
      %scan3A_67 = arith.constant 250 : i32
      %scan3A_68 = arith.addi %scan3A_66, %scan3A_67 : i32
      %scan3A_69 = arith.constant 1 : i32
      scf.for %scan3A_71 = %scan3A_66 to %scan3A_68 step %scan3A_69  : i32 {
        %rem3A = arith.constant 2 : i32
        %rem3A_72 = arith.remsi %scan3A_71, %rem3A : i32
        %add3A_73 = arith.constant 1 : i32
        %add3A_74 = arith.addi %scan3A_71, %add3A_73 : i32
        %lt3A = arith.constant 250 : i32
        %lt3A_75 = arith.cmpi slt, %add3A_74, %lt3A : i32
        %convert_element_type3A_76 = arith.extui %lt3A_75 : i1 to i32
        %cond3A_77 = arith.constant 0 : i32
        %cond3A_78 = arith.cmpi ne, %convert_element_type3A_76, %cond3A_77 : i32
        scf.if %cond3A_78 {
          %add3A_97 = arith.constant 1 : i32
          %add3A_98 = arith.addi %scan3A_71, %add3A_97 : i32
          %sub3A = arith.constant 1 : i32
          %sub3A_99 = arith.subi %sub3A, %rem3A_72 : i32
          %dma_start3A_100 = arith.constant 0 : i32
          %dma_start3A_101 = arith.constant 0 : i32
          %dma_start3A_102 = tpu.memref_slice %arg10[%sub3A_99, %dma_start3A_100, %dma_start3A_101] : memref<2x80x64xf32, #tpu.memory_space<vmem>> -> memref<1x80x64xf32, #tpu.memory_space<vmem>>
          %dma_start3A_103 = tpu.memref_squeeze %dma_start3A_102 : memref<1x80x64xf32, #tpu.memory_space<vmem>> -> memref<80x64xf32, #tpu.memory_space<vmem>>
          %dma_start3A_104 = arith.constant 0 : i32
          %dma_start3A_105 = tpu.memref_slice %arg8[%add3A_98, %dma_start3A_104] : memref<250x80xi32, #tpu.memory_space<vmem>> -> memref<1x80xi32, #tpu.memory_space<vmem>>
          %dma_start3A_106 = tpu.memref_squeeze %dma_start3A_105 : memref<1x80xi32, #tpu.memory_space<vmem>> -> memref<80xi32, #tpu.memory_space<vmem>>
          %dma_start3A_107 = arith.constant 0 : i32
          %dma_start3A_108 = arith.constant 0 : i32
          %dma_start3A_109 = tpu.memref_slice %arg4[%dma_start3A_107, %dma_start3A_108] : memref<10000x64xf32, #tpu.memory_space<hbm>> -> memref<10000x64xf32, #tpu.memory_space<hbm>>
          tpu.enqueue_indirect_dma source(%dma_start3A_109 : memref<10000x64xf32, #tpu.memory_space<hbm>>) target(%dma_start3A_103 : memref<80x64xf32, #tpu.memory_space<vmem>>) offsets(%dma_start3A_106 : memref<80xi32, #tpu.memory_space<vmem>>) semaphore(%arg16 : memref<!tpu.dma_semaphore, #tpu.memory_space<semaphore_mem>>)
        } else {
        }
        %dma_wait3A = arith.constant 0 : i32
        %dma_wait3A_79 = arith.constant 0 : i32
        %dma_wait3A_80 = tpu.memref_slice %arg10[%rem3A_72, %dma_wait3A, %dma_wait3A_79] : memref<2x80x64xf32, #tpu.memory_space<vmem>> -> memref<1x80x64xf32, #tpu.memory_space<vmem>>
        %dma_wait3A_81 = tpu.memref_squeeze %dma_wait3A_80 : memref<1x80x64xf32, #tpu.memory_space<vmem>> -> memref<80x64xf32, #tpu.memory_space<vmem>>
        %dma_wait3A_82 = arith.constant 0 : i32
        %dma_wait3A_83 = tpu.memref_slice %arg8[%scan3A_71, %dma_wait3A_82] : memref<250x80xi32, #tpu.memory_space<vmem>> -> memref<1x80xi32, #tpu.memory_space<vmem>>
        %dma_wait3A_84 = tpu.memref_squeeze %dma_wait3A_83 : memref<1x80xi32, #tpu.memory_space<vmem>> -> memref<80xi32, #tpu.memory_space<vmem>>
        %dma_wait3A_85 = arith.constant 0 : i32
        %dma_wait3A_86 = arith.constant 0 : i32
        %dma_wait3A_87 = tpu.memref_slice %arg4[%dma_wait3A_85, %dma_wait3A_86] : memref<10000x64xf32, #tpu.memory_space<hbm>> -> memref<10000x64xf32, #tpu.memory_space<hbm>>
        tpu.wait_indirect_dma semaphore(%arg16 : memref<!tpu.dma_semaphore, #tpu.memory_space<semaphore_mem>>) src(%dma_wait3A_87 : memref<10000x64xf32, #tpu.memory_space<hbm>>) dst(%dma_wait3A_81 : memref<80x64xf32, #tpu.memory_space<vmem>>)
        "tpu.region"() ({
          %run_scoped3A = tpu.sem_alloc : memref<!tpu.dma_semaphore, #tpu.memory_space<semaphore_mem>>
          %dma_start3A_97 = arith.constant 0 : i32
          %dma_start3A_98 = arith.constant 0 : i32
          %dma_start3A_99 = tpu.memref_slice %arg10[%rem3A_72, %dma_start3A_97, %dma_start3A_98] : memref<2x80x64xf32, #tpu.memory_space<vmem>> -> memref<1x80x64xf32, #tpu.memory_space<vmem>>
          %dma_start3A_100 = tpu.memref_squeeze %dma_start3A_99 : memref<1x80x64xf32, #tpu.memory_space<vmem>> -> memref<80x64xf32, #tpu.memory_space<vmem>>
          %dma_start3A_101 = arith.constant 0 : i32
          %dma_start3A_102 = tpu.memref_slice %arg9[%scan3A_71, %dma_start3A_101] : memref<250x80xi32, #tpu.memory_space<vmem>> -> memref<1x80xi32, #tpu.memory_space<vmem>>
          %dma_start3A_103 = tpu.memref_squeeze %dma_start3A_102 : memref<1x80xi32, #tpu.memory_space<vmem>> -> memref<80xi32, #tpu.memory_space<vmem>>
          %dma_start3A_104 = arith.constant 0 : i32
          %dma_start3A_105 = arith.constant 0 : i32
          %dma_start3A_106 = tpu.memref_slice %arg14[%dma_start3A_104, %dma_start3A_105] : memref<10240x64xf32, #tpu.memory_space<vmem_shared>> -> memref<10240x64xf32, #tpu.memory_space<vmem_shared>>
          tpu.enqueue_indirect_dma source(%dma_start3A_100 : memref<80x64xf32, #tpu.memory_space<vmem>>) target(%dma_start3A_106 : memref<10240x64xf32, #tpu.memory_space<vmem_shared>>) offsets(%dma_start3A_103 : memref<80xi32, #tpu.memory_space<vmem>>) semaphore(%run_scoped3A : memref<!tpu.dma_semaphore, #tpu.memory_space<semaphore_mem>>) {add = true}
          %dma_wait3A_107 = arith.constant 0 : i32
          %dma_wait3A_108 = arith.constant 0 : i32
          %dma_wait3A_109 = tpu.memref_slice %arg10[%rem3A_72, %dma_wait3A_107, %dma_wait3A_108] : memref<2x80x64xf32, #tpu.memory_space<vmem>> -> memref<1x80x64xf32, #tpu.memory_space<vmem>>
          %dma_wait3A_110 = tpu.memref_squeeze %dma_wait3A_109 : memref<1x80x64xf32, #tpu.memory_space<vmem>> -> memref<80x64xf32, #tpu.memory_space<vmem>>
          %dma_wait3A_111 = arith.constant 0 : i32
          %dma_wait3A_112 = tpu.memref_slice %arg9[%scan3A_71, %dma_wait3A_111] : memref<250x80xi32, #tpu.memory_space<vmem>> -> memref<1x80xi32, #tpu.memory_space<vmem>>
          %dma_wait3A_113 = tpu.memref_squeeze %dma_wait3A_112 : memref<1x80xi32, #tpu.memory_space<vmem>> -> memref<80xi32, #tpu.memory_space<vmem>>
          %dma_wait3A_114 = arith.constant 0 : i32
          %dma_wait3A_115 = arith.constant 0 : i32
          %dma_wait3A_116 = tpu.memref_slice %arg14[%dma_wait3A_114, %dma_wait3A_115] : memref<10240x64xf32, #tpu.memory_space<vmem_shared>> -> memref<10240x64xf32, #tpu.memory_space<vmem_shared>>
          tpu.wait_indirect_dma semaphore(%run_scoped3A : memref<!tpu.dma_semaphore, #tpu.memory_space<semaphore_mem>>) src(%dma_wait3A_110 : memref<80x64xf32, #tpu.memory_space<vmem>>) dst(%dma_wait3A_116 : memref<10240x64xf32, #tpu.memory_space<vmem_shared>>)
          tpu.yield
        }) : () -> ()
        %lt3A_88 = arith.constant 125 : i32
        %lt3A_89 = arith.cmpi slt, %scan3A_71, %lt3A_88 : i32
        %eq3A_90 = arith.constant true
        %eq3A_91 = arith.xori %lt3A_89, %eq3A_90 : i1
        %eq3A_92 = arith.constant true
        %eq3A_93 = arith.xori %eq3A_91, %eq3A_92 : i1
        %convert_element_type3A_94 = arith.extui %eq3A_93 : i1 to i32
        %cond3A_95 = arith.constant 0 : i32
        %cond3A_96 = arith.cmpi ne, %convert_element_type3A_94, %cond3A_95 : i32
        scf.if %cond3A_96 {
          "tpu.region"() ({
            %run_scoped3A = tpu.sem_alloc : memref<!tpu.dma_semaphore, #tpu.memory_space<semaphore_mem>>
            %dma_start3A_97 = arith.constant 0 : i32
            %dma_start3A_98 = tpu.memref_slice %arg9[%scan3A_71, %dma_start3A_97] : memref<250x80xi32, #tpu.memory_space<vmem>> -> memref<1x80xi32, #tpu.memory_space<vmem>>
            %dma_start3A_99 = tpu.memref_squeeze %dma_start3A_98 : memref<1x80xi32, #tpu.memory_space<vmem>> -> memref<80xi32, #tpu.memory_space<vmem>>
            %dma_start3A_100 = arith.constant 0 : i32
            %dma_start3A_101 = arith.constant 0 : i32
            %dma_start3A_102 = tpu.memref_slice %arg15[%dma_start3A_100, %dma_start3A_101] : memref<10240x16xf32, #tpu.memory_space<vmem_shared>> -> memref<10240x16xf32, #tpu.memory_space<vmem_shared>>
            tpu.enqueue_indirect_dma source(%arg11 : memref<80x16xf32, #tpu.memory_space<vmem>>) target(%dma_start3A_102 : memref<10240x16xf32, #tpu.memory_space<vmem_shared>>) offsets(%dma_start3A_99 : memref<80xi32, #tpu.memory_space<vmem>>) semaphore(%run_scoped3A : memref<!tpu.dma_semaphore, #tpu.memory_space<semaphore_mem>>) {add = true}
            %dma_wait3A_103 = arith.constant 0 : i32
            %dma_wait3A_104 = tpu.memref_slice %arg9[%scan3A_71, %dma_wait3A_103] : memref<250x80xi32, #tpu.memory_space<vmem>> -> memref<1x80xi32, #tpu.memory_space<vmem>>
            %dma_wait3A_105 = tpu.memref_squeeze %dma_wait3A_104 : memref<1x80xi32, #tpu.memory_space<vmem>> -> memref<80xi32, #tpu.memory_space<vmem>>
            %dma_wait3A_106 = arith.constant 0 : i32
            %dma_wait3A_107 = arith.constant 0 : i32
            %dma_wait3A_108 = tpu.memref_slice %arg15[%dma_wait3A_106, %dma_wait3A_107] : memref<10240x16xf32, #tpu.memory_space<vmem_shared>> -> memref<10240x16xf32, #tpu.memory_space<vmem_shared>>
            tpu.wait_indirect_dma semaphore(%run_scoped3A : memref<!tpu.dma_semaphore, #tpu.memory_space<semaphore_mem>>) src(%arg11 : memref<80x16xf32, #tpu.memory_space<vmem>>) dst(%dma_wait3A_108 : memref<10240x16xf32, #tpu.memory_space<vmem_shared>>)
            tpu.yield
          }) : () -> ()
        } else {
        }
      }
      %scan3A_70 = arith.constant 250 : i32
    } else {
    }
    %eq3A_43 = arith.constant 1 : i32
    %eq3A_44 = arith.cmpi eq, %arg0, %eq3A_43 : i32
    %convert_element_type3A_45 = arith.extui %eq3A_44 : i1 to i32
    %cond3A_46 = arith.constant 0 : i32
    %cond3A_47 = arith.cmpi ne, %convert_element_type3A_45, %cond3A_46 : i32
    scf.if %cond3A_47 {
      %dma_start3A = arith.constant 0 : i32
      %dma_start3A_55 = arith.constant 0 : i32
      %dma_start3A_56 = arith.constant 0 : i32
      %dma_start3A_57 = arith.constant 0 : i32
      %dma_start3A_58 = tpu.memref_slice %arg10[%dma_start3A_55, %dma_start3A_56, %dma_start3A_57] : memref<2x80x64xf32, #tpu.memory_space<vmem>> -> memref<1x80x64xf32, #tpu.memory_space<vmem>>
      %dma_start3A_59 = tpu.memref_squeeze %dma_start3A_58 : memref<1x80x64xf32, #tpu.memory_space<vmem>> -> memref<80x64xf32, #tpu.memory_space<vmem>>
      %dma_start3A_60 = arith.constant 0 : i32
      %dma_start3A_61 = tpu.memref_slice %arg8[%dma_start3A, %dma_start3A_60] : memref<250x80xi32, #tpu.memory_space<vmem>> -> memref<1x80xi32, #tpu.memory_space<vmem>>
      %dma_start3A_62 = tpu.memref_squeeze %dma_start3A_61 : memref<1x80xi32, #tpu.memory_space<vmem>> -> memref<80xi32, #tpu.memory_space<vmem>>
      %dma_start3A_63 = arith.constant 0 : i32
      %dma_start3A_64 = arith.constant 0 : i32
      %dma_start3A_65 = tpu.memref_slice %arg5[%dma_start3A_63, %dma_start3A_64] : memref<10000x64xf32, #tpu.memory_space<hbm>> -> memref<10000x64xf32, #tpu.memory_space<hbm>>
      tpu.enqueue_indirect_dma source(%dma_start3A_65 : memref<10000x64xf32, #tpu.memory_space<hbm>>) target(%dma_start3A_59 : memref<80x64xf32, #tpu.memory_space<vmem>>) offsets(%dma_start3A_62 : memref<80xi32, #tpu.memory_space<vmem>>) semaphore(%arg16 : memref<!tpu.dma_semaphore, #tpu.memory_space<semaphore_mem>>)
      %scan3A_66 = arith.constant 0 : i32
      %scan3A_67 = arith.constant 250 : i32
      %scan3A_68 = arith.addi %scan3A_66, %scan3A_67 : i32
      %scan3A_69 = arith.constant 1 : i32
      scf.for %scan3A_71 = %scan3A_66 to %scan3A_68 step %scan3A_69  : i32 {
        %rem3A = arith.constant 2 : i32
        %rem3A_72 = arith.remsi %scan3A_71, %rem3A : i32
        %add3A_73 = arith.constant 1 : i32
        %add3A_74 = arith.addi %scan3A_71, %add3A_73 : i32
        %lt3A = arith.constant 250 : i32
        %lt3A_75 = arith.cmpi slt, %add3A_74, %lt3A : i32
        %convert_element_type3A_76 = arith.extui %lt3A_75 : i1 to i32
        %cond3A_77 = arith.constant 0 : i32
        %cond3A_78 = arith.cmpi ne, %convert_element_type3A_76, %cond3A_77 : i32
        scf.if %cond3A_78 {
          %add3A_97 = arith.constant 1 : i32
          %add3A_98 = arith.addi %scan3A_71, %add3A_97 : i32
          %sub3A = arith.constant 1 : i32
          %sub3A_99 = arith.subi %sub3A, %rem3A_72 : i32
          %dma_start3A_100 = arith.constant 0 : i32
          %dma_start3A_101 = arith.constant 0 : i32
          %dma_start3A_102 = tpu.memref_slice %arg10[%sub3A_99, %dma_start3A_100, %dma_start3A_101] : memref<2x80x64xf32, #tpu.memory_space<vmem>> -> memref<1x80x64xf32, #tpu.memory_space<vmem>>
          %dma_start3A_103 = tpu.memref_squeeze %dma_start3A_102 : memref<1x80x64xf32, #tpu.memory_space<vmem>> -> memref<80x64xf32, #tpu.memory_space<vmem>>
          %dma_start3A_104 = arith.constant 0 : i32
          %dma_start3A_105 = tpu.memref_slice %arg8[%add3A_98, %dma_start3A_104] : memref<250x80xi32, #tpu.memory_space<vmem>> -> memref<1x80xi32, #tpu.memory_space<vmem>>
          %dma_start3A_106 = tpu.memref_squeeze %dma_start3A_105 : memref<1x80xi32, #tpu.memory_space<vmem>> -> memref<80xi32, #tpu.memory_space<vmem>>
          %dma_start3A_107 = arith.constant 0 : i32
          %dma_start3A_108 = arith.constant 0 : i32
          %dma_start3A_109 = tpu.memref_slice %arg5[%dma_start3A_107, %dma_start3A_108] : memref<10000x64xf32, #tpu.memory_space<hbm>> -> memref<10000x64xf32, #tpu.memory_space<hbm>>
          tpu.enqueue_indirect_dma source(%dma_start3A_109 : memref<10000x64xf32, #tpu.memory_space<hbm>>) target(%dma_start3A_103 : memref<80x64xf32, #tpu.memory_space<vmem>>) offsets(%dma_start3A_106 : memref<80xi32, #tpu.memory_space<vmem>>) semaphore(%arg16 : memref<!tpu.dma_semaphore, #tpu.memory_space<semaphore_mem>>)
        } else {
        }
        %dma_wait3A = arith.constant 0 : i32
        %dma_wait3A_79 = arith.constant 0 : i32
        %dma_wait3A_80 = tpu.memref_slice %arg10[%rem3A_72, %dma_wait3A, %dma_wait3A_79] : memref<2x80x64xf32, #tpu.memory_space<vmem>> -> memref<1x80x64xf32, #tpu.memory_space<vmem>>
        %dma_wait3A_81 = tpu.memref_squeeze %dma_wait3A_80 : memref<1x80x64xf32, #tpu.memory_space<vmem>> -> memref<80x64xf32, #tpu.memory_space<vmem>>
        %dma_wait3A_82 = arith.constant 0 : i32
        %dma_wait3A_83 = tpu.memref_slice %arg8[%scan3A_71, %dma_wait3A_82] : memref<250x80xi32, #tpu.memory_space<vmem>> -> memref<1x80xi32, #tpu.memory_space<vmem>>
        %dma_wait3A_84 = tpu.memref_squeeze %dma_wait3A_83 : memref<1x80xi32, #tpu.memory_space<vmem>> -> memref<80xi32, #tpu.memory_space<vmem>>
        %dma_wait3A_85 = arith.constant 0 : i32
        %dma_wait3A_86 = arith.constant 0 : i32
        %dma_wait3A_87 = tpu.memref_slice %arg5[%dma_wait3A_85, %dma_wait3A_86] : memref<10000x64xf32, #tpu.memory_space<hbm>> -> memref<10000x64xf32, #tpu.memory_space<hbm>>
        tpu.wait_indirect_dma semaphore(%arg16 : memref<!tpu.dma_semaphore, #tpu.memory_space<semaphore_mem>>) src(%dma_wait3A_87 : memref<10000x64xf32, #tpu.memory_space<hbm>>) dst(%dma_wait3A_81 : memref<80x64xf32, #tpu.memory_space<vmem>>)
        "tpu.region"() ({
          %run_scoped3A = tpu.sem_alloc : memref<!tpu.dma_semaphore, #tpu.memory_space<semaphore_mem>>
          %dma_start3A_97 = arith.constant 0 : i32
          %dma_start3A_98 = arith.constant 0 : i32
          %dma_start3A_99 = tpu.memref_slice %arg10[%rem3A_72, %dma_start3A_97, %dma_start3A_98] : memref<2x80x64xf32, #tpu.memory_space<vmem>> -> memref<1x80x64xf32, #tpu.memory_space<vmem>>
          %dma_start3A_100 = tpu.memref_squeeze %dma_start3A_99 : memref<1x80x64xf32, #tpu.memory_space<vmem>> -> memref<80x64xf32, #tpu.memory_space<vmem>>
          %dma_start3A_101 = arith.constant 0 : i32
          %dma_start3A_102 = tpu.memref_slice %arg9[%scan3A_71, %dma_start3A_101] : memref<250x80xi32, #tpu.memory_space<vmem>> -> memref<1x80xi32, #tpu.memory_space<vmem>>
          %dma_start3A_103 = tpu.memref_squeeze %dma_start3A_102 : memref<1x80xi32, #tpu.memory_space<vmem>> -> memref<80xi32, #tpu.memory_space<vmem>>
          %dma_start3A_104 = arith.constant 0 : i32
          %dma_start3A_105 = arith.constant 0 : i32
          %dma_start3A_106 = tpu.memref_slice %arg14[%dma_start3A_104, %dma_start3A_105] : memref<10240x64xf32, #tpu.memory_space<vmem_shared>> -> memref<10240x64xf32, #tpu.memory_space<vmem_shared>>
          tpu.enqueue_indirect_dma source(%dma_start3A_100 : memref<80x64xf32, #tpu.memory_space<vmem>>) target(%dma_start3A_106 : memref<10240x64xf32, #tpu.memory_space<vmem_shared>>) offsets(%dma_start3A_103 : memref<80xi32, #tpu.memory_space<vmem>>) semaphore(%run_scoped3A : memref<!tpu.dma_semaphore, #tpu.memory_space<semaphore_mem>>) {add = true}
          %dma_wait3A_107 = arith.constant 0 : i32
          %dma_wait3A_108 = arith.constant 0 : i32
          %dma_wait3A_109 = tpu.memref_slice %arg10[%rem3A_72, %dma_wait3A_107, %dma_wait3A_108] : memref<2x80x64xf32, #tpu.memory_space<vmem>> -> memref<1x80x64xf32, #tpu.memory_space<vmem>>
          %dma_wait3A_110 = tpu.memref_squeeze %dma_wait3A_109 : memref<1x80x64xf32, #tpu.memory_space<vmem>> -> memref<80x64xf32, #tpu.memory_space<vmem>>
          %dma_wait3A_111 = arith.constant 0 : i32
          %dma_wait3A_112 = tpu.memref_slice %arg9[%scan3A_71, %dma_wait3A_111] : memref<250x80xi32, #tpu.memory_space<vmem>> -> memref<1x80xi32, #tpu.memory_space<vmem>>
          %dma_wait3A_113 = tpu.memref_squeeze %dma_wait3A_112 : memref<1x80xi32, #tpu.memory_space<vmem>> -> memref<80xi32, #tpu.memory_space<vmem>>
          %dma_wait3A_114 = arith.constant 0 : i32
          %dma_wait3A_115 = arith.constant 0 : i32
          %dma_wait3A_116 = tpu.memref_slice %arg14[%dma_wait3A_114, %dma_wait3A_115] : memref<10240x64xf32, #tpu.memory_space<vmem_shared>> -> memref<10240x64xf32, #tpu.memory_space<vmem_shared>>
          tpu.wait_indirect_dma semaphore(%run_scoped3A : memref<!tpu.dma_semaphore, #tpu.memory_space<semaphore_mem>>) src(%dma_wait3A_110 : memref<80x64xf32, #tpu.memory_space<vmem>>) dst(%dma_wait3A_116 : memref<10240x64xf32, #tpu.memory_space<vmem_shared>>)
          tpu.yield
        }) : () -> ()
        %lt3A_88 = arith.constant 125 : i32
        %lt3A_89 = arith.cmpi slt, %scan3A_71, %lt3A_88 : i32
        %eq3A_90 = arith.constant false
        %eq3A_91 = arith.xori %lt3A_89, %eq3A_90 : i1
        %eq3A_92 = arith.constant true
        %eq3A_93 = arith.xori %eq3A_91, %eq3A_92 : i1
        %convert_element_type3A_94 = arith.extui %eq3A_93 : i1 to i32
        %cond3A_95 = arith.constant 0 : i32
        %cond3A_96 = arith.cmpi ne, %convert_element_type3A_94, %cond3A_95 : i32
        scf.if %cond3A_96 {
          "tpu.region"() ({
            %run_scoped3A = tpu.sem_alloc : memref<!tpu.dma_semaphore, #tpu.memory_space<semaphore_mem>>
            %dma_start3A_97 = arith.constant 0 : i32
            %dma_start3A_98 = tpu.memref_slice %arg9[%scan3A_71, %dma_start3A_97] : memref<250x80xi32, #tpu.memory_space<vmem>> -> memref<1x80xi32, #tpu.memory_space<vmem>>
            %dma_start3A_99 = tpu.memref_squeeze %dma_start3A_98 : memref<1x80xi32, #tpu.memory_space<vmem>> -> memref<80xi32, #tpu.memory_space<vmem>>
            %dma_start3A_100 = arith.constant 0 : i32
            %dma_start3A_101 = arith.constant 0 : i32
            %dma_start3A_102 = tpu.memref_slice %arg15[%dma_start3A_100, %dma_start3A_101] : memref<10240x16xf32, #tpu.memory_space<vmem_shared>> -> memref<10240x16xf32, #tpu.memory_space<vmem_shared>>
            tpu.enqueue_indirect_dma source(%arg11 : memref<80x16xf32, #tpu.memory_space<vmem>>) target(%dma_start3A_102 : memref<10240x16xf32, #tpu.memory_space<vmem_shared>>) offsets(%dma_start3A_99 : memref<80xi32, #tpu.memory_space<vmem>>) semaphore(%run_scoped3A : memref<!tpu.dma_semaphore, #tpu.memory_space<semaphore_mem>>) {add = true}
            %dma_wait3A_103 = arith.constant 0 : i32
            %dma_wait3A_104 = tpu.memref_slice %arg9[%scan3A_71, %dma_wait3A_103] : memref<250x80xi32, #tpu.memory_space<vmem>> -> memref<1x80xi32, #tpu.memory_space<vmem>>
            %dma_wait3A_105 = tpu.memref_squeeze %dma_wait3A_104 : memref<1x80xi32, #tpu.memory_space<vmem>> -> memref<80xi32, #tpu.memory_space<vmem>>
            %dma_wait3A_106 = arith.constant 0 : i32
            %dma_wait3A_107 = arith.constant 0 : i32
            %dma_wait3A_108 = tpu.memref_slice %arg15[%dma_wait3A_106, %dma_wait3A_107] : memref<10240x16xf32, #tpu.memory_space<vmem_shared>> -> memref<10240x16xf32, #tpu.memory_space<vmem_shared>>
            tpu.wait_indirect_dma semaphore(%run_scoped3A : memref<!tpu.dma_semaphore, #tpu.memory_space<semaphore_mem>>) src(%arg11 : memref<80x16xf32, #tpu.memory_space<vmem>>) dst(%dma_wait3A_108 : memref<10240x16xf32, #tpu.memory_space<vmem_shared>>)
            tpu.yield
          }) : () -> ()
        } else {
        }
      }
      %scan3A_70 = arith.constant 250 : i32
    } else {
    }
    %barrier3A_48 = arith.constant 0 : index
    tpu.barrier barrier_id(%barrier3A_48)
    %mul3A_49 = arith.constant 640 : i32
    %mul3A_50 = arith.muli %arg1, %mul3A_49 : i32
    %mul3A_51 = arith.constant 64 : i32
    %mul3A_52 = arith.muli %arg0, %mul3A_51 : i32
    "tpu.region"() ({
      %run_scoped3A = tpu.sem_alloc : memref<!tpu.dma_semaphore, #tpu.memory_space<semaphore_mem>>
      %dma_start3A = tpu.memref_slice %arg6[%mul3A_50, %mul3A_52] : memref<10240x128xf32, #tpu.memory_space<hbm>> -> memref<640x64xf32, #tpu.memory_space<hbm>>
      %dma_start3A_55 = arith.constant 0 : i32
      %dma_start3A_56 = tpu.memref_slice %arg14[%mul3A_50, %dma_start3A_55] : memref<10240x64xf32, #tpu.memory_space<vmem_shared>> -> memref<640x64xf32, #tpu.memory_space<vmem_shared>>
      tpu.enqueue_dma source(%dma_start3A_56 : memref<640x64xf32, #tpu.memory_space<vmem_shared>>) target(%dma_start3A : memref<640x64xf32, #tpu.memory_space<hbm>>) target_semaphore(%run_scoped3A : memref<!tpu.dma_semaphore, #tpu.memory_space<semaphore_mem>>)
      %dma_wait3A = tpu.memref_slice %arg6[%mul3A_50, %mul3A_52] : memref<10240x128xf32, #tpu.memory_space<hbm>> -> memref<640x64xf32, #tpu.memory_space<hbm>>
      %dma_wait3A_57 = arith.constant 0 : i32
      %dma_wait3A_58 = tpu.memref_slice %arg14[%mul3A_50, %dma_wait3A_57] : memref<10240x64xf32, #tpu.memory_space<vmem_shared>> -> memref<640x64xf32, #tpu.memory_space<vmem_shared>>
      tpu.wait_dma2 semaphore(%run_scoped3A : memref<!tpu.dma_semaphore, #tpu.memory_space<semaphore_mem>>) src(%dma_wait3A_58 : memref<640x64xf32, #tpu.memory_space<vmem_shared>>) dst(%dma_wait3A : memref<640x64xf32, #tpu.memory_space<hbm>>)
      tpu.yield
    }) : () -> ()
    %mul3A_53 = arith.constant 16 : i32
    %mul3A_54 = arith.muli %arg0, %mul3A_53 : i32
    "tpu.region"() ({
      %run_scoped3A = tpu.sem_alloc : memref<!tpu.dma_semaphore, #tpu.memory_space<semaphore_mem>>
      %dma_start3A = tpu.memref_slice %arg7[%mul3A_50, %mul3A_54] : memref<10240x32xf32, #tpu.memory_space<hbm>> -> memref<640x16xf32, #tpu.memory_space<hbm>>
      %dma_start3A_55 = arith.constant 0 : i32
      %dma_start3A_56 = tpu.memref_slice %arg15[%mul3A_50, %dma_start3A_55] : memref<10240x16xf32, #tpu.memory_space<vmem_shared>> -> memref<640x16xf32, #tpu.memory_space<vmem_shared>>
      tpu.enqueue_dma source(%dma_start3A_56 : memref<640x16xf32, #tpu.memory_space<vmem_shared>>) target(%dma_start3A : memref<640x16xf32, #tpu.memory_space<hbm>>) target_semaphore(%run_scoped3A : memref<!tpu.dma_semaphore, #tpu.memory_space<semaphore_mem>>)
      %dma_wait3A = tpu.memref_slice %arg7[%mul3A_50, %mul3A_54] : memref<10240x32xf32, #tpu.memory_space<hbm>> -> memref<640x16xf32, #tpu.memory_space<hbm>>
      %dma_wait3A_57 = arith.constant 0 : i32
      %dma_wait3A_58 = tpu.memref_slice %arg15[%mul3A_50, %dma_wait3A_57] : memref<10240x16xf32, #tpu.memory_space<vmem_shared>> -> memref<640x16xf32, #tpu.memory_space<vmem_shared>>
      tpu.wait_dma2 semaphore(%run_scoped3A : memref<!tpu.dma_semaphore, #tpu.memory_space<semaphore_mem>>) src(%dma_wait3A_58 : memref<640x16xf32, #tpu.memory_space<vmem_shared>>) dst(%dma_wait3A : memref<640x16xf32, #tpu.memory_space<hbm>>)
      tpu.yield
    }) : () -> ()
    return
  }
}

#map = affine_map<(d0, d1) -> (0, 0)>
module attributes {stable_mosaic.version = 14 : i64} {
  func.func @_sc_fasm_body(%arg0: i32, %arg1: i32, %arg2: memref<8x16xf32, #tpu.memory_space<hbm>>, %arg3: memref<4000x80xi32, #tpu.memory_space<hbm>>, %arg4: memref<4000x80xi32, #tpu.memory_space<hbm>>, %arg5: memref<10000x16xf32, #tpu.memory_space<hbm>>, %arg6: memref<10000x16xf32, #tpu.memory_space<hbm>>, %arg7: memref<40000x128xf32, #tpu.memory_space<hbm>>, %arg8: memref<40000x128xf32, #tpu.memory_space<hbm>>, %arg9: memref<125x80xi32, #tpu.memory_space<vmem>>, %arg10: memref<125x80xi32, #tpu.memory_space<vmem>>, %arg11: memref<2x80x16xf32, #tpu.memory_space<vmem>>, %arg12: memref<2x80x16xf32, #tpu.memory_space<vmem>>, %arg13: memref<2x10x128xf32, #tpu.memory_space<vmem>>, %arg14: memref<2x10x128xf32, #tpu.memory_space<vmem>>, %arg15: memref<!tpu.dma_semaphore, #tpu.memory_space<semaphore_mem>>) attributes {dimension_semantics = [#tpu.dimension_semantics<core_parallel>, #tpu.dimension_semantics<subcore_parallel>], iteration_bounds = array<i64: 2, 16>, scalar_prefetch = 0 : i64, scratch_operands = 7 : i64, tpu.core_type = #tpu.core_type<sc_vector_subcore>, window_params = [{transform_indices = #map}, {transform_indices = #map}, {transform_indices = #map}, {transform_indices = #map}, {transform_indices = #map}, {transform_indices = #map}, {transform_indices = #map}]} {
    %mul3A = arith.constant 2 : i32
    %mul3A_0 = arith.muli %arg1, %mul3A : i32
    %add3A = arith.addi %mul3A_0, %arg0 : i32
    %mul3A_1 = arith.constant 10000 : i32
    %mul3A_2 = arith.muli %add3A, %mul3A_1 : i32
    %mul3A_3 = arith.constant 16 : i32
    %mul3A_4 = arith.muli %mul3A_2, %mul3A_3 : i32
    %jit3A = arith.constant 128 : i32
    %div3A = arith.divsi %mul3A_4, %jit3A : i32
    %sign3A = arith.constant 0 : i32
    %sign3A_5 = arith.cmpi sgt, %mul3A_4, %sign3A : i32
    %sign3A_6 = arith.extui %sign3A_5 : i1 to i32
    %sign3A_7 = arith.constant 0 : i32
    %sign3A_8 = arith.cmpi slt, %mul3A_4, %sign3A_7 : i32
    %sign3A_9 = arith.extui %sign3A_8 : i1 to i32
    %sign3A_10 = arith.subi %sign3A_6, %sign3A_9 : i32
    %sign3A_11 = arith.constant 0 : i32
    %sign3A_12 = arith.cmpi sgt, %jit3A, %sign3A_11 : i32
    %sign3A_13 = arith.extui %sign3A_12 : i1 to i32
    %sign3A_14 = arith.constant 0 : i32
    %sign3A_15 = arith.cmpi slt, %jit3A, %sign3A_14 : i32
    %sign3A_16 = arith.extui %sign3A_15 : i1 to i32
    %sign3A_17 = arith.subi %sign3A_13, %sign3A_16 : i32
    %ne3A = arith.cmpi ne, %sign3A_10, %sign3A_17 : i32
    %rem3A = arith.remsi %mul3A_4, %jit3A : i32
    %ne3A_18 = arith.constant 0 : i32
    %ne3A_19 = arith.cmpi ne, %rem3A, %ne3A_18 : i32
    %and3A = arith.andi %ne3A, %ne3A_19 : i1
    %sub3A = arith.constant 1 : i32
    %sub3A_20 = arith.subi %div3A, %sub3A : i32
    %select_n3A = arith.select %and3A, %sub3A_20, %div3A : i32
    %mul3A_21 = arith.constant 125 : i32
    %mul3A_22 = arith.muli %add3A, %mul3A_21 : i32
    "tpu.region"() ({
      %run_scoped3A = tpu.sem_alloc : memref<!tpu.dma_semaphore, #tpu.memory_space<semaphore_mem>>
      %dma_start3A_67 = arith.constant 0 : i32
      %dma_start3A_68 = tpu.memref_slice %arg3[%mul3A_22, %dma_start3A_67] : memref<4000x80xi32, #tpu.memory_space<hbm>> -> memref<125x80xi32, #tpu.memory_space<hbm>>
      %dma_start3A_69 = arith.constant 0 : i32
      %dma_start3A_70 = tpu.memref_slice %arg3[%mul3A_22, %dma_start3A_69] : memref<4000x80xi32, #tpu.memory_space<hbm>> -> memref<125x80xi32, #tpu.memory_space<hbm>>
      tpu.enqueue_dma source(%dma_start3A_70 : memref<125x80xi32, #tpu.memory_space<hbm>>) target(%arg9 : memref<125x80xi32, #tpu.memory_space<vmem>>) target_semaphore(%run_scoped3A : memref<!tpu.dma_semaphore, #tpu.memory_space<semaphore_mem>>)
      %dma_wait3A = arith.constant 0 : i32
      %dma_wait3A_71 = tpu.memref_slice %arg3[%mul3A_22, %dma_wait3A] : memref<4000x80xi32, #tpu.memory_space<hbm>> -> memref<125x80xi32, #tpu.memory_space<hbm>>
      %dma_wait3A_72 = arith.constant 0 : i32
      %dma_wait3A_73 = tpu.memref_slice %arg3[%mul3A_22, %dma_wait3A_72] : memref<4000x80xi32, #tpu.memory_space<hbm>> -> memref<125x80xi32, #tpu.memory_space<hbm>>
      tpu.wait_dma2 semaphore(%run_scoped3A : memref<!tpu.dma_semaphore, #tpu.memory_space<semaphore_mem>>) src(%dma_wait3A_73 : memref<125x80xi32, #tpu.memory_space<hbm>>) dst(%arg9 : memref<125x80xi32, #tpu.memory_space<vmem>>)
      tpu.yield
    }) : () -> ()
    %mul3A_23 = arith.constant 125 : i32
    %mul3A_24 = arith.muli %add3A, %mul3A_23 : i32
    "tpu.region"() ({
      %run_scoped3A = tpu.sem_alloc : memref<!tpu.dma_semaphore, #tpu.memory_space<semaphore_mem>>
      %dma_start3A_67 = arith.constant 0 : i32
      %dma_start3A_68 = tpu.memref_slice %arg4[%mul3A_24, %dma_start3A_67] : memref<4000x80xi32, #tpu.memory_space<hbm>> -> memref<125x80xi32, #tpu.memory_space<hbm>>
      %dma_start3A_69 = arith.constant 0 : i32
      %dma_start3A_70 = tpu.memref_slice %arg4[%mul3A_24, %dma_start3A_69] : memref<4000x80xi32, #tpu.memory_space<hbm>> -> memref<125x80xi32, #tpu.memory_space<hbm>>
      tpu.enqueue_dma source(%dma_start3A_70 : memref<125x80xi32, #tpu.memory_space<hbm>>) target(%arg10 : memref<125x80xi32, #tpu.memory_space<vmem>>) target_semaphore(%run_scoped3A : memref<!tpu.dma_semaphore, #tpu.memory_space<semaphore_mem>>)
      %dma_wait3A = arith.constant 0 : i32
      %dma_wait3A_71 = tpu.memref_slice %arg4[%mul3A_24, %dma_wait3A] : memref<4000x80xi32, #tpu.memory_space<hbm>> -> memref<125x80xi32, #tpu.memory_space<hbm>>
      %dma_wait3A_72 = arith.constant 0 : i32
      %dma_wait3A_73 = tpu.memref_slice %arg4[%mul3A_24, %dma_wait3A_72] : memref<4000x80xi32, #tpu.memory_space<hbm>> -> memref<125x80xi32, #tpu.memory_space<hbm>>
      tpu.wait_dma2 semaphore(%run_scoped3A : memref<!tpu.dma_semaphore, #tpu.memory_space<semaphore_mem>>) src(%dma_wait3A_73 : memref<125x80xi32, #tpu.memory_space<hbm>>) dst(%arg10 : memref<125x80xi32, #tpu.memory_space<vmem>>)
      tpu.yield
    }) : () -> ()
    %dma_start3A = arith.constant 0 : i32
    %dma_start3A_25 = arith.constant 0 : i32
    %dma_start3A_26 = arith.constant 0 : i32
    %dma_start3A_27 = arith.constant 0 : i32
    %dma_start3A_28 = tpu.memref_slice %arg11[%dma_start3A_25, %dma_start3A_26, %dma_start3A_27] : memref<2x80x16xf32, #tpu.memory_space<vmem>> -> memref<1x80x16xf32, #tpu.memory_space<vmem>>
    %dma_start3A_29 = tpu.memref_squeeze %dma_start3A_28 : memref<1x80x16xf32, #tpu.memory_space<vmem>> -> memref<80x16xf32, #tpu.memory_space<vmem>>
    %dma_start3A_30 = arith.constant 0 : i32
    %dma_start3A_31 = tpu.memref_slice %arg9[%dma_start3A, %dma_start3A_30] : memref<125x80xi32, #tpu.memory_space<vmem>> -> memref<1x80xi32, #tpu.memory_space<vmem>>
    %dma_start3A_32 = tpu.memref_squeeze %dma_start3A_31 : memref<1x80xi32, #tpu.memory_space<vmem>> -> memref<80xi32, #tpu.memory_space<vmem>>
    %dma_start3A_33 = arith.constant 0 : i32
    %dma_start3A_34 = arith.constant 0 : i32
    %dma_start3A_35 = tpu.memref_slice %arg5[%dma_start3A_33, %dma_start3A_34] : memref<10000x16xf32, #tpu.memory_space<hbm>> -> memref<10000x16xf32, #tpu.memory_space<hbm>>
    tpu.enqueue_indirect_dma source(%dma_start3A_35 : memref<10000x16xf32, #tpu.memory_space<hbm>>) target(%dma_start3A_29 : memref<80x16xf32, #tpu.memory_space<vmem>>) offsets(%dma_start3A_32 : memref<80xi32, #tpu.memory_space<vmem>>) semaphore(%arg15 : memref<!tpu.dma_semaphore, #tpu.memory_space<semaphore_mem>>)
    %dma_start3A_36 = arith.constant 0 : i32
    %dma_start3A_37 = arith.constant 0 : i32
    %dma_start3A_38 = arith.constant 0 : i32
    %dma_start3A_39 = arith.constant 0 : i32
    %dma_start3A_40 = tpu.memref_slice %arg12[%dma_start3A_37, %dma_start3A_38, %dma_start3A_39] : memref<2x80x16xf32, #tpu.memory_space<vmem>> -> memref<1x80x16xf32, #tpu.memory_space<vmem>>
    %dma_start3A_41 = tpu.memref_squeeze %dma_start3A_40 : memref<1x80x16xf32, #tpu.memory_space<vmem>> -> memref<80x16xf32, #tpu.memory_space<vmem>>
    %dma_start3A_42 = arith.constant 0 : i32
    %dma_start3A_43 = tpu.memref_slice %arg10[%dma_start3A_36, %dma_start3A_42] : memref<125x80xi32, #tpu.memory_space<vmem>> -> memref<1x80xi32, #tpu.memory_space<vmem>>
    %dma_start3A_44 = tpu.memref_squeeze %dma_start3A_43 : memref<1x80xi32, #tpu.memory_space<vmem>> -> memref<80xi32, #tpu.memory_space<vmem>>
    %dma_start3A_45 = arith.constant 0 : i32
    %dma_start3A_46 = arith.constant 0 : i32
    %dma_start3A_47 = tpu.memref_slice %arg6[%dma_start3A_45, %dma_start3A_46] : memref<10000x16xf32, #tpu.memory_space<hbm>> -> memref<10000x16xf32, #tpu.memory_space<hbm>>
    tpu.enqueue_indirect_dma source(%dma_start3A_47 : memref<10000x16xf32, #tpu.memory_space<hbm>>) target(%dma_start3A_41 : memref<80x16xf32, #tpu.memory_space<vmem>>) offsets(%dma_start3A_44 : memref<80xi32, #tpu.memory_space<vmem>>) semaphore(%arg15 : memref<!tpu.dma_semaphore, #tpu.memory_space<semaphore_mem>>)
    %add3A_48 = arith.constant 0 : i32
    %add3A_49 = arith.addi %select_n3A, %add3A_48 : i32
    %dma_start3A_50 = arith.constant 0 : i32
    %dma_start3A_51 = arith.constant 0 : i32
    %dma_start3A_52 = arith.constant 0 : i32
    %dma_start3A_53 = tpu.memref_slice %arg13[%dma_start3A_50, %dma_start3A_51, %dma_start3A_52] : memref<2x10x128xf32, #tpu.memory_space<vmem>> -> memref<1x10x128xf32, #tpu.memory_space<vmem>>
    %dma_start3A_54 = tpu.memref_squeeze %dma_start3A_53 : memref<1x10x128xf32, #tpu.memory_space<vmem>> -> memref<10x128xf32, #tpu.memory_space<vmem>>
    %dma_start3A_55 = arith.constant 0 : i32
    %dma_start3A_56 = tpu.memref_slice %arg7[%add3A_49, %dma_start3A_55] : memref<40000x128xf32, #tpu.memory_space<hbm>> -> memref<10x128xf32, #tpu.memory_space<hbm>>
    %dma_start3A_57 = arith.constant 0 : i32
    %dma_start3A_58 = arith.constant 0 : i32
    %dma_start3A_59 = tpu.memref_slice %arg13[%dma_start3A_50, %dma_start3A_57, %dma_start3A_58] : memref<2x10x128xf32, #tpu.memory_space<vmem>> -> memref<1x10x128xf32, #tpu.memory_space<vmem>>
    %dma_start3A_60 = tpu.memref_squeeze %dma_start3A_59 : memref<1x10x128xf32, #tpu.memory_space<vmem>> -> memref<10x128xf32, #tpu.memory_space<vmem>>
    %dma_start3A_61 = arith.constant 0 : i32
    %dma_start3A_62 = tpu.memref_slice %arg7[%add3A_49, %dma_start3A_61] : memref<40000x128xf32, #tpu.memory_space<hbm>> -> memref<10x128xf32, #tpu.memory_space<hbm>>
    tpu.enqueue_dma source(%dma_start3A_62 : memref<10x128xf32, #tpu.memory_space<hbm>>) target(%dma_start3A_60 : memref<10x128xf32, #tpu.memory_space<vmem>>) target_semaphore(%arg15 : memref<!tpu.dma_semaphore, #tpu.memory_space<semaphore_mem>>)
    %scan3A = arith.constant 0 : i32
    %scan3A_63 = arith.constant 125 : i32
    %scan3A_64 = arith.addi %scan3A, %scan3A_63 : i32
    %scan3A_65 = arith.constant 1 : i32
    scf.for %scan3A_67 = %scan3A to %scan3A_64 step %scan3A_65  : i32 {
      %rem3A_68 = arith.constant 2 : i32
      %rem3A_69 = arith.remsi %scan3A_67, %rem3A_68 : i32
      %add3A_70 = arith.constant 1 : i32
      %add3A_71 = arith.addi %scan3A_67, %add3A_70 : i32
      %lt3A = arith.constant 125 : i32
      %lt3A_72 = arith.cmpi slt, %add3A_71, %lt3A : i32
      %convert_element_type3A = arith.extui %lt3A_72 : i1 to i32
      %cond3A = arith.constant 0 : i32
      %cond3A_73 = arith.cmpi ne, %convert_element_type3A, %cond3A : i32
      scf.if %cond3A_73 {
        %add3A_116 = arith.constant 1 : i32
        %add3A_117 = arith.addi %scan3A_67, %add3A_116 : i32
        %sub3A_118 = arith.constant 1 : i32
        %sub3A_119 = arith.subi %sub3A_118, %rem3A_69 : i32
        %dma_start3A_120 = arith.constant 0 : i32
        %dma_start3A_121 = arith.constant 0 : i32
        %dma_start3A_122 = tpu.memref_slice %arg11[%sub3A_119, %dma_start3A_120, %dma_start3A_121] : memref<2x80x16xf32, #tpu.memory_space<vmem>> -> memref<1x80x16xf32, #tpu.memory_space<vmem>>
        %dma_start3A_123 = tpu.memref_squeeze %dma_start3A_122 : memref<1x80x16xf32, #tpu.memory_space<vmem>> -> memref<80x16xf32, #tpu.memory_space<vmem>>
        %dma_start3A_124 = arith.constant 0 : i32
        %dma_start3A_125 = tpu.memref_slice %arg9[%add3A_117, %dma_start3A_124] : memref<125x80xi32, #tpu.memory_space<vmem>> -> memref<1x80xi32, #tpu.memory_space<vmem>>
        %dma_start3A_126 = tpu.memref_squeeze %dma_start3A_125 : memref<1x80xi32, #tpu.memory_space<vmem>> -> memref<80xi32, #tpu.memory_space<vmem>>
        %dma_start3A_127 = arith.constant 0 : i32
        %dma_start3A_128 = arith.constant 0 : i32
        %dma_start3A_129 = tpu.memref_slice %arg5[%dma_start3A_127, %dma_start3A_128] : memref<10000x16xf32, #tpu.memory_space<hbm>> -> memref<10000x16xf32, #tpu.memory_space<hbm>>
        tpu.enqueue_indirect_dma source(%dma_start3A_129 : memref<10000x16xf32, #tpu.memory_space<hbm>>) target(%dma_start3A_123 : memref<80x16xf32, #tpu.memory_space<vmem>>) offsets(%dma_start3A_126 : memref<80xi32, #tpu.memory_space<vmem>>) semaphore(%arg15 : memref<!tpu.dma_semaphore, #tpu.memory_space<semaphore_mem>>)
        %dma_start3A_130 = arith.constant 0 : i32
        %dma_start3A_131 = arith.constant 0 : i32
        %dma_start3A_132 = tpu.memref_slice %arg12[%sub3A_119, %dma_start3A_130, %dma_start3A_131] : memref<2x80x16xf32, #tpu.memory_space<vmem>> -> memref<1x80x16xf32, #tpu.memory_space<vmem>>
        %dma_start3A_133 = tpu.memref_squeeze %dma_start3A_132 : memref<1x80x16xf32, #tpu.memory_space<vmem>> -> memref<80x16xf32, #tpu.memory_space<vmem>>
        %dma_start3A_134 = arith.constant 0 : i32
        %dma_start3A_135 = tpu.memref_slice %arg10[%add3A_117, %dma_start3A_134] : memref<125x80xi32, #tpu.memory_space<vmem>> -> memref<1x80xi32, #tpu.memory_space<vmem>>
        %dma_start3A_136 = tpu.memref_squeeze %dma_start3A_135 : memref<1x80xi32, #tpu.memory_space<vmem>> -> memref<80xi32, #tpu.memory_space<vmem>>
        %dma_start3A_137 = arith.constant 0 : i32
        %dma_start3A_138 = arith.constant 0 : i32
        %dma_start3A_139 = tpu.memref_slice %arg6[%dma_start3A_137, %dma_start3A_138] : memref<10000x16xf32, #tpu.memory_space<hbm>> -> memref<10000x16xf32, #tpu.memory_space<hbm>>
        tpu.enqueue_indirect_dma source(%dma_start3A_139 : memref<10000x16xf32, #tpu.memory_space<hbm>>) target(%dma_start3A_133 : memref<80x16xf32, #tpu.memory_space<vmem>>) offsets(%dma_start3A_136 : memref<80xi32, #tpu.memory_space<vmem>>) semaphore(%arg15 : memref<!tpu.dma_semaphore, #tpu.memory_space<semaphore_mem>>)
        %mul3A_140 = arith.constant 10 : i32
        %mul3A_141 = arith.muli %add3A_117, %mul3A_140 : i32
        %add3A_142 = arith.addi %select_n3A, %mul3A_141 : i32
        %dma_start3A_143 = arith.constant 0 : i32
        %dma_start3A_144 = arith.constant 0 : i32
        %dma_start3A_145 = tpu.memref_slice %arg13[%sub3A_119, %dma_start3A_143, %dma_start3A_144] : memref<2x10x128xf32, #tpu.memory_space<vmem>> -> memref<1x10x128xf32, #tpu.memory_space<vmem>>
        %dma_start3A_146 = tpu.memref_squeeze %dma_start3A_145 : memref<1x10x128xf32, #tpu.memory_space<vmem>> -> memref<10x128xf32, #tpu.memory_space<vmem>>
        %dma_start3A_147 = arith.constant 0 : i32
        %dma_start3A_148 = tpu.memref_slice %arg7[%add3A_142, %dma_start3A_147] : memref<40000x128xf32, #tpu.memory_space<hbm>> -> memref<10x128xf32, #tpu.memory_space<hbm>>
        %dma_start3A_149 = arith.constant 0 : i32
        %dma_start3A_150 = arith.constant 0 : i32
        %dma_start3A_151 = tpu.memref_slice %arg13[%sub3A_119, %dma_start3A_149, %dma_start3A_150] : memref<2x10x128xf32, #tpu.memory_space<vmem>> -> memref<1x10x128xf32, #tpu.memory_space<vmem>>
        %dma_start3A_152 = tpu.memref_squeeze %dma_start3A_151 : memref<1x10x128xf32, #tpu.memory_space<vmem>> -> memref<10x128xf32, #tpu.memory_space<vmem>>
        %dma_start3A_153 = arith.constant 0 : i32
        %dma_start3A_154 = tpu.memref_slice %arg7[%add3A_142, %dma_start3A_153] : memref<40000x128xf32, #tpu.memory_space<hbm>> -> memref<10x128xf32, #tpu.memory_space<hbm>>
        tpu.enqueue_dma source(%dma_start3A_154 : memref<10x128xf32, #tpu.memory_space<hbm>>) target(%dma_start3A_152 : memref<10x128xf32, #tpu.memory_space<vmem>>) target_semaphore(%arg15 : memref<!tpu.dma_semaphore, #tpu.memory_space<semaphore_mem>>)
      } else {
      }
      %dma_wait3A = arith.constant 0 : i32
      %dma_wait3A_74 = arith.constant 0 : i32
      %dma_wait3A_75 = tpu.memref_slice %arg11[%rem3A_69, %dma_wait3A, %dma_wait3A_74] : memref<2x80x16xf32, #tpu.memory_space<vmem>> -> memref<1x80x16xf32, #tpu.memory_space<vmem>>
      %dma_wait3A_76 = tpu.memref_squeeze %dma_wait3A_75 : memref<1x80x16xf32, #tpu.memory_space<vmem>> -> memref<80x16xf32, #tpu.memory_space<vmem>>
      %dma_wait3A_77 = arith.constant 0 : i32
      %dma_wait3A_78 = tpu.memref_slice %arg9[%scan3A_67, %dma_wait3A_77] : memref<125x80xi32, #tpu.memory_space<vmem>> -> memref<1x80xi32, #tpu.memory_space<vmem>>
      %dma_wait3A_79 = tpu.memref_squeeze %dma_wait3A_78 : memref<1x80xi32, #tpu.memory_space<vmem>> -> memref<80xi32, #tpu.memory_space<vmem>>
      %dma_wait3A_80 = arith.constant 0 : i32
      %dma_wait3A_81 = arith.constant 0 : i32
      %dma_wait3A_82 = tpu.memref_slice %arg5[%dma_wait3A_80, %dma_wait3A_81] : memref<10000x16xf32, #tpu.memory_space<hbm>> -> memref<10000x16xf32, #tpu.memory_space<hbm>>
      tpu.wait_indirect_dma semaphore(%arg15 : memref<!tpu.dma_semaphore, #tpu.memory_space<semaphore_mem>>) src(%dma_wait3A_82 : memref<10000x16xf32, #tpu.memory_space<hbm>>) dst(%dma_wait3A_76 : memref<80x16xf32, #tpu.memory_space<vmem>>)
      %dma_wait3A_83 = arith.constant 0 : i32
      %dma_wait3A_84 = arith.constant 0 : i32
      %dma_wait3A_85 = tpu.memref_slice %arg12[%rem3A_69, %dma_wait3A_83, %dma_wait3A_84] : memref<2x80x16xf32, #tpu.memory_space<vmem>> -> memref<1x80x16xf32, #tpu.memory_space<vmem>>
      %dma_wait3A_86 = tpu.memref_squeeze %dma_wait3A_85 : memref<1x80x16xf32, #tpu.memory_space<vmem>> -> memref<80x16xf32, #tpu.memory_space<vmem>>
      %dma_wait3A_87 = arith.constant 0 : i32
      %dma_wait3A_88 = tpu.memref_slice %arg10[%scan3A_67, %dma_wait3A_87] : memref<125x80xi32, #tpu.memory_space<vmem>> -> memref<1x80xi32, #tpu.memory_space<vmem>>
      %dma_wait3A_89 = tpu.memref_squeeze %dma_wait3A_88 : memref<1x80xi32, #tpu.memory_space<vmem>> -> memref<80xi32, #tpu.memory_space<vmem>>
      %dma_wait3A_90 = arith.constant 0 : i32
      %dma_wait3A_91 = arith.constant 0 : i32
      %dma_wait3A_92 = tpu.memref_slice %arg6[%dma_wait3A_90, %dma_wait3A_91] : memref<10000x16xf32, #tpu.memory_space<hbm>> -> memref<10000x16xf32, #tpu.memory_space<hbm>>
      tpu.wait_indirect_dma semaphore(%arg15 : memref<!tpu.dma_semaphore, #tpu.memory_space<semaphore_mem>>) src(%dma_wait3A_92 : memref<10000x16xf32, #tpu.memory_space<hbm>>) dst(%dma_wait3A_86 : memref<80x16xf32, #tpu.memory_space<vmem>>)
      %mul3A_93 = arith.constant 10 : i32
      %mul3A_94 = arith.muli %scan3A_67, %mul3A_93 : i32
      %add3A_95 = arith.addi %select_n3A, %mul3A_94 : i32
      %dma_wait3A_96 = arith.constant 0 : i32
      %dma_wait3A_97 = arith.constant 0 : i32
      %dma_wait3A_98 = tpu.memref_slice %arg13[%rem3A_69, %dma_wait3A_96, %dma_wait3A_97] : memref<2x10x128xf32, #tpu.memory_space<vmem>> -> memref<1x10x128xf32, #tpu.memory_space<vmem>>
      %dma_wait3A_99 = tpu.memref_squeeze %dma_wait3A_98 : memref<1x10x128xf32, #tpu.memory_space<vmem>> -> memref<10x128xf32, #tpu.memory_space<vmem>>
      %dma_wait3A_100 = arith.constant 0 : i32
      %dma_wait3A_101 = tpu.memref_slice %arg7[%add3A_95, %dma_wait3A_100] : memref<40000x128xf32, #tpu.memory_space<hbm>> -> memref<10x128xf32, #tpu.memory_space<hbm>>
      %dma_wait3A_102 = arith.constant 0 : i32
      %dma_wait3A_103 = arith.constant 0 : i32
      %dma_wait3A_104 = tpu.memref_slice %arg13[%rem3A_69, %dma_wait3A_102, %dma_wait3A_103] : memref<2x10x128xf32, #tpu.memory_space<vmem>> -> memref<1x10x128xf32, #tpu.memory_space<vmem>>
      %dma_wait3A_105 = tpu.memref_squeeze %dma_wait3A_104 : memref<1x10x128xf32, #tpu.memory_space<vmem>> -> memref<10x128xf32, #tpu.memory_space<vmem>>
      %dma_wait3A_106 = arith.constant 0 : i32
      %dma_wait3A_107 = tpu.memref_slice %arg7[%add3A_95, %dma_wait3A_106] : memref<40000x128xf32, #tpu.memory_space<hbm>> -> memref<10x128xf32, #tpu.memory_space<hbm>>
      tpu.wait_dma2 semaphore(%arg15 : memref<!tpu.dma_semaphore, #tpu.memory_space<semaphore_mem>>) src(%dma_wait3A_107 : memref<10x128xf32, #tpu.memory_space<hbm>>) dst(%dma_wait3A_105 : memref<10x128xf32, #tpu.memory_space<vmem>>)
      %scan3A_108 = arith.constant 0 : i32
      %scan3A_109 = arith.constant 10 : i32
      %scan3A_110 = arith.addi %scan3A_108, %scan3A_109 : i32
      %scan3A_111 = arith.constant 1 : i32
      scf.for %scan3A_116 = %scan3A_108 to %scan3A_110 step %scan3A_111  : i32 {
        %mul3A_117 = arith.constant 8 : i32
        %mul3A_118 = arith.muli %scan3A_116, %mul3A_117 : i32
        %add3A_119 = arith.constant 0 : i32
        %add3A_120 = arith.addi %mul3A_118, %add3A_119 : i32
        %get3A = arith.index_cast %rem3A_69 : i32 to index
        %get3A_121 = arith.index_cast %add3A_120 : i32 to index
        %get3A_122 = arith.constant 0 : index
        %get3A_123 = tpu.vector_load %arg11[%get3A, %get3A_121, %get3A_122] {strides = array<i32>} : memref<2x80x16xf32, #tpu.memory_space<vmem>>, vector<1x1x16xf32>,
        %get3A_124 = vector.shape_cast %get3A_123 : vector<1x1x16xf32> to vector<16xf32>
        %get3A_125 = arith.index_cast %rem3A_69 : i32 to index
        %get3A_126 = arith.index_cast %add3A_120 : i32 to index
        %get3A_127 = arith.constant 0 : index
        %get3A_128 = tpu.vector_load %arg12[%get3A_125, %get3A_126, %get3A_127] {strides = array<i32>} : memref<2x80x16xf32, #tpu.memory_space<vmem>>, vector<1x1x16xf32>,
        %get3A_129 = vector.shape_cast %get3A_128 : vector<1x1x16xf32> to vector<16xf32>
        %add3A_130 = arith.addf %get3A_124, %get3A_129 : vector<16xf32>
        %get3A_131 = arith.index_cast %rem3A_69 : i32 to index
        %get3A_132 = arith.index_cast %scan3A_116 : i32 to index
        %get3A_133 = arith.constant 0 : index
        %get3A_134 = tpu.vector_load %arg13[%get3A_131, %get3A_132, %get3A_133] {strides = array<i32>} : memref<2x10x128xf32, #tpu.memory_space<vmem>>, vector<1x1x16xf32>,
        %get3A_135 = vector.shape_cast %get3A_134 : vector<1x1x16xf32> to vector<16xf32>
        %add3A_136 = arith.addf %add3A_130, %get3A_135 : vector<16xf32>
        %mul3A_137 = arith.constant 0.00999999977 : f32
        %mul3A_138 = vector.broadcast %mul3A_137 : f32 to vector<16xf32>
        %mul3A_139 = arith.mulf %add3A_136, %mul3A_138 : vector<16xf32>
        %max3A = arith.maximumf %add3A_136, %mul3A_139 : vector<16xf32>
        %swap3A = arith.index_cast %rem3A_69 : i32 to index
        %swap3A_140 = arith.index_cast %scan3A_116 : i32 to index
        %swap3A_141 = arith.constant 0 : index
        %swap3A_142 = tpu.vector_load %arg14[%swap3A, %swap3A_140, %swap3A_141] {strides = array<i32>} : memref<2x10x128xf32, #tpu.memory_space<vmem>>, vector<1x1x16xf32>,
        %swap3A_143 = vector.shape_cast %swap3A_142 : vector<1x1x16xf32> to vector<16xf32>
        %swap3A_144 = vector.shape_cast %max3A : vector<16xf32> to vector<1x1x16xf32>
        tpu.vector_store %arg14[%swap3A, %swap3A_140, %swap3A_141], %swap3A_144 {strides = array<i32>} : memref<2x10x128xf32, #tpu.memory_space<vmem>>, vector<1x1x16xf32>,
        %mul3A_145 = arith.constant 8 : i32
        %mul3A_146 = arith.muli %scan3A_116, %mul3A_145 : i32
        %add3A_147 = arith.constant 1 : i32
        %add3A_148 = arith.addi %mul3A_146, %add3A_147 : i32
        %get3A_149 = arith.index_cast %rem3A_69 : i32 to index
        %get3A_150 = arith.index_cast %add3A_148 : i32 to index
        %get3A_151 = arith.constant 0 : index
        %get3A_152 = tpu.vector_load %arg11[%get3A_149, %get3A_150, %get3A_151] {strides = array<i32>} : memref<2x80x16xf32, #tpu.memory_space<vmem>>, vector<1x1x16xf32>,
        %get3A_153 = vector.shape_cast %get3A_152 : vector<1x1x16xf32> to vector<16xf32>
        %get3A_154 = arith.index_cast %rem3A_69 : i32 to index
        %get3A_155 = arith.index_cast %add3A_148 : i32 to index
        %get3A_156 = arith.constant 0 : index
        %get3A_157 = tpu.vector_load %arg12[%get3A_154, %get3A_155, %get3A_156] {strides = array<i32>} : memref<2x80x16xf32, #tpu.memory_space<vmem>>, vector<1x1x16xf32>,
        %get3A_158 = vector.shape_cast %get3A_157 : vector<1x1x16xf32> to vector<16xf32>
        %add3A_159 = arith.addf %get3A_153, %get3A_158 : vector<16xf32>
        %get3A_160 = arith.index_cast %rem3A_69 : i32 to index
        %get3A_161 = arith.index_cast %scan3A_116 : i32 to index
        %get3A_162 = arith.constant 16 : index
        %get3A_163 = tpu.vector_load %arg13[%get3A_160, %get3A_161, %get3A_162] {strides = array<i32>} : memref<2x10x128xf32, #tpu.memory_space<vmem>>, vector<1x1x16xf32>,
        %get3A_164 = vector.shape_cast %get3A_163 : vector<1x1x16xf32> to vector<16xf32>
        %add3A_165 = arith.addf %add3A_159, %get3A_164 : vector<16xf32>
        %mul3A_166 = arith.constant 0.00999999977 : f32
        %mul3A_167 = vector.broadcast %mul3A_166 : f32 to vector<16xf32>
        %mul3A_168 = arith.mulf %add3A_165, %mul3A_167 : vector<16xf32>
        %max3A_169 = arith.maximumf %add3A_165, %mul3A_168 : vector<16xf32>
        %swap3A_170 = arith.index_cast %rem3A_69 : i32 to index
        %swap3A_171 = arith.index_cast %scan3A_116 : i32 to index
        %swap3A_172 = arith.constant 16 : index
        %swap3A_173 = tpu.vector_load %arg14[%swap3A_170, %swap3A_171, %swap3A_172] {strides = array<i32>} : memref<2x10x128xf32, #tpu.memory_space<vmem>>, vector<1x1x16xf32>,
        %swap3A_174 = vector.shape_cast %swap3A_173 : vector<1x1x16xf32> to vector<16xf32>
        %swap3A_175 = vector.shape_cast %max3A_169 : vector<16xf32> to vector<1x1x16xf32>
        tpu.vector_store %arg14[%swap3A_170, %swap3A_171, %swap3A_172], %swap3A_175 {strides = array<i32>} : memref<2x10x128xf32, #tpu.memory_space<vmem>>, vector<1x1x16xf32>,
        %mul3A_176 = arith.constant 8 : i32
        %mul3A_177 = arith.muli %scan3A_116, %mul3A_176 : i32
        %add3A_178 = arith.constant 2 : i32
        %add3A_179 = arith.addi %mul3A_177, %add3A_178 : i32
        %get3A_180 = arith.index_cast %rem3A_69 : i32 to index
        %get3A_181 = arith.index_cast %add3A_179 : i32 to index
        %get3A_182 = arith.constant 0 : index
        %get3A_183 = tpu.vector_load %arg11[%get3A_180, %get3A_181, %get3A_182] {strides = array<i32>} : memref<2x80x16xf32, #tpu.memory_space<vmem>>, vector<1x1x16xf32>,
        %get3A_184 = vector.shape_cast %get3A_183 : vector<1x1x16xf32> to vector<16xf32>
        %get3A_185 = arith.index_cast %rem3A_69 : i32 to index
        %get3A_186 = arith.index_cast %add3A_179 : i32 to index
        %get3A_187 = arith.constant 0 : index
        %get3A_188 = tpu.vector_load %arg12[%get3A_185, %get3A_186, %get3A_187] {strides = array<i32>} : memref<2x80x16xf32, #tpu.memory_space<vmem>>, vector<1x1x16xf32>,
        %get3A_189 = vector.shape_cast %get3A_188 : vector<1x1x16xf32> to vector<16xf32>
        %add3A_190 = arith.addf %get3A_184, %get3A_189 : vector<16xf32>
        %get3A_191 = arith.index_cast %rem3A_69 : i32 to index
        %get3A_192 = arith.index_cast %scan3A_116 : i32 to index
        %get3A_193 = arith.constant 32 : index
        %get3A_194 = tpu.vector_load %arg13[%get3A_191, %get3A_192, %get3A_193] {strides = array<i32>} : memref<2x10x128xf32, #tpu.memory_space<vmem>>, vector<1x1x16xf32>,
        %get3A_195 = vector.shape_cast %get3A_194 : vector<1x1x16xf32> to vector<16xf32>
        %add3A_196 = arith.addf %add3A_190, %get3A_195 : vector<16xf32>
        %mul3A_197 = arith.constant 0.00999999977 : f32
        %mul3A_198 = vector.broadcast %mul3A_197 : f32 to vector<16xf32>
        %mul3A_199 = arith.mulf %add3A_196, %mul3A_198 : vector<16xf32>
        %max3A_200 = arith.maximumf %add3A_196, %mul3A_199 : vector<16xf32>
        %swap3A_201 = arith.index_cast %rem3A_69 : i32 to index
        %swap3A_202 = arith.index_cast %scan3A_116 : i32 to index
        %swap3A_203 = arith.constant 32 : index
        %swap3A_204 = tpu.vector_load %arg14[%swap3A_201, %swap3A_202, %swap3A_203] {strides = array<i32>} : memref<2x10x128xf32, #tpu.memory_space<vmem>>, vector<1x1x16xf32>,
        %swap3A_205 = vector.shape_cast %swap3A_204 : vector<1x1x16xf32> to vector<16xf32>
        %swap3A_206 = vector.shape_cast %max3A_200 : vector<16xf32> to vector<1x1x16xf32>
        tpu.vector_store %arg14[%swap3A_201, %swap3A_202, %swap3A_203], %swap3A_206 {strides = array<i32>} : memref<2x10x128xf32, #tpu.memory_space<vmem>>, vector<1x1x16xf32>,
        %mul3A_207 = arith.constant 8 : i32
        %mul3A_208 = arith.muli %scan3A_116, %mul3A_207 : i32
        %add3A_209 = arith.constant 3 : i32
        %add3A_210 = arith.addi %mul3A_208, %add3A_209 : i32
        %get3A_211 = arith.index_cast %rem3A_69 : i32 to index
        %get3A_212 = arith.index_cast %add3A_210 : i32 to index
        %get3A_213 = arith.constant 0 : index
        %get3A_214 = tpu.vector_load %arg11[%get3A_211, %get3A_212, %get3A_213] {strides = array<i32>} : memref<2x80x16xf32, #tpu.memory_space<vmem>>, vector<1x1x16xf32>,
        %get3A_215 = vector.shape_cast %get3A_214 : vector<1x1x16xf32> to vector<16xf32>
        %get3A_216 = arith.index_cast %rem3A_69 : i32 to index
        %get3A_217 = arith.index_cast %add3A_210 : i32 to index
        %get3A_218 = arith.constant 0 : index
        %get3A_219 = tpu.vector_load %arg12[%get3A_216, %get3A_217, %get3A_218] {strides = array<i32>} : memref<2x80x16xf32, #tpu.memory_space<vmem>>, vector<1x1x16xf32>,
        %get3A_220 = vector.shape_cast %get3A_219 : vector<1x1x16xf32> to vector<16xf32>
        %add3A_221 = arith.addf %get3A_215, %get3A_220 : vector<16xf32>
        %get3A_222 = arith.index_cast %rem3A_69 : i32 to index
        %get3A_223 = arith.index_cast %scan3A_116 : i32 to index
        %get3A_224 = arith.constant 48 : index
        %get3A_225 = tpu.vector_load %arg13[%get3A_222, %get3A_223, %get3A_224] {strides = array<i32>} : memref<2x10x128xf32, #tpu.memory_space<vmem>>, vector<1x1x16xf32>,
        %get3A_226 = vector.shape_cast %get3A_225 : vector<1x1x16xf32> to vector<16xf32>
        %add3A_227 = arith.addf %add3A_221, %get3A_226 : vector<16xf32>
        %mul3A_228 = arith.constant 0.00999999977 : f32
        %mul3A_229 = vector.broadcast %mul3A_228 : f32 to vector<16xf32>
        %mul3A_230 = arith.mulf %add3A_227, %mul3A_229 : vector<16xf32>
        %max3A_231 = arith.maximumf %add3A_227, %mul3A_230 : vector<16xf32>
        %swap3A_232 = arith.index_cast %rem3A_69 : i32 to index
        %swap3A_233 = arith.index_cast %scan3A_116 : i32 to index
        %swap3A_234 = arith.constant 48 : index
        %swap3A_235 = tpu.vector_load %arg14[%swap3A_232, %swap3A_233, %swap3A_234] {strides = array<i32>} : memref<2x10x128xf32, #tpu.memory_space<vmem>>, vector<1x1x16xf32>,
        %swap3A_236 = vector.shape_cast %swap3A_235 : vector<1x1x16xf32> to vector<16xf32>
        %swap3A_237 = vector.shape_cast %max3A_231 : vector<16xf32> to vector<1x1x16xf32>
        tpu.vector_store %arg14[%swap3A_232, %swap3A_233, %swap3A_234], %swap3A_237 {strides = array<i32>} : memref<2x10x128xf32, #tpu.memory_space<vmem>>, vector<1x1x16xf32>,
        %mul3A_238 = arith.constant 8 : i32
        %mul3A_239 = arith.muli %scan3A_116, %mul3A_238 : i32
        %add3A_240 = arith.constant 4 : i32
        %add3A_241 = arith.addi %mul3A_239, %add3A_240 : i32
        %get3A_242 = arith.index_cast %rem3A_69 : i32 to index
        %get3A_243 = arith.index_cast %add3A_241 : i32 to index
        %get3A_244 = arith.constant 0 : index
        %get3A_245 = tpu.vector_load %arg11[%get3A_242, %get3A_243, %get3A_244] {strides = array<i32>} : memref<2x80x16xf32, #tpu.memory_space<vmem>>, vector<1x1x16xf32>,
        %get3A_246 = vector.shape_cast %get3A_245 : vector<1x1x16xf32> to vector<16xf32>
        %get3A_247 = arith.index_cast %rem3A_69 : i32 to index
        %get3A_248 = arith.index_cast %add3A_241 : i32 to index
        %get3A_249 = arith.constant 0 : index
        %get3A_250 = tpu.vector_load %arg12[%get3A_247, %get3A_248, %get3A_249] {strides = array<i32>} : memref<2x80x16xf32, #tpu.memory_space<vmem>>, vector<1x1x16xf32>,
        %get3A_251 = vector.shape_cast %get3A_250 : vector<1x1x16xf32> to vector<16xf32>
        %add3A_252 = arith.addf %get3A_246, %get3A_251 : vector<16xf32>
        %get3A_253 = arith.index_cast %rem3A_69 : i32 to index
        %get3A_254 = arith.index_cast %scan3A_116 : i32 to index
        %get3A_255 = arith.constant 64 : index
        %get3A_256 = tpu.vector_load %arg13[%get3A_253, %get3A_254, %get3A_255] {strides = array<i32>} : memref<2x10x128xf32, #tpu.memory_space<vmem>>, vector<1x1x16xf32>,
        %get3A_257 = vector.shape_cast %get3A_256 : vector<1x1x16xf32> to vector<16xf32>
        %add3A_258 = arith.addf %add3A_252, %get3A_257 : vector<16xf32>
        %mul3A_259 = arith.constant 0.00999999977 : f32
        %mul3A_260 = vector.broadcast %mul3A_259 : f32 to vector<16xf32>
        %mul3A_261 = arith.mulf %add3A_258, %mul3A_260 : vector<16xf32>
        %max3A_262 = arith.maximumf %add3A_258, %mul3A_261 : vector<16xf32>
        %swap3A_263 = arith.index_cast %rem3A_69 : i32 to index
        %swap3A_264 = arith.index_cast %scan3A_116 : i32 to index
        %swap3A_265 = arith.constant 64 : index
        %swap3A_266 = tpu.vector_load %arg14[%swap3A_263, %swap3A_264, %swap3A_265] {strides = array<i32>} : memref<2x10x128xf32, #tpu.memory_space<vmem>>, vector<1x1x16xf32>,
        %swap3A_267 = vector.shape_cast %swap3A_266 : vector<1x1x16xf32> to vector<16xf32>
        %swap3A_268 = vector.shape_cast %max3A_262 : vector<16xf32> to vector<1x1x16xf32>
        tpu.vector_store %arg14[%swap3A_263, %swap3A_264, %swap3A_265], %swap3A_268 {strides = array<i32>} : memref<2x10x128xf32, #tpu.memory_space<vmem>>, vector<1x1x16xf32>,
        %mul3A_269 = arith.constant 8 : i32
        %mul3A_270 = arith.muli %scan3A_116, %mul3A_269 : i32
        %add3A_271 = arith.constant 5 : i32
        %add3A_272 = arith.addi %mul3A_270, %add3A_271 : i32
        %get3A_273 = arith.index_cast %rem3A_69 : i32 to index
        %get3A_274 = arith.index_cast %add3A_272 : i32 to index
        %get3A_275 = arith.constant 0 : index
        %get3A_276 = tpu.vector_load %arg11[%get3A_273, %get3A_274, %get3A_275] {strides = array<i32>} : memref<2x80x16xf32, #tpu.memory_space<vmem>>, vector<1x1x16xf32>,
        %get3A_277 = vector.shape_cast %get3A_276 : vector<1x1x16xf32> to vector<16xf32>
        %get3A_278 = arith.index_cast %rem3A_69 : i32 to index
        %get3A_279 = arith.index_cast %add3A_272 : i32 to index
        %get3A_280 = arith.constant 0 : index
        %get3A_281 = tpu.vector_load %arg12[%get3A_278, %get3A_279, %get3A_280] {strides = array<i32>} : memref<2x80x16xf32, #tpu.memory_space<vmem>>, vector<1x1x16xf32>,
        %get3A_282 = vector.shape_cast %get3A_281 : vector<1x1x16xf32> to vector<16xf32>
        %add3A_283 = arith.addf %get3A_277, %get3A_282 : vector<16xf32>
        %get3A_284 = arith.index_cast %rem3A_69 : i32 to index
        %get3A_285 = arith.index_cast %scan3A_116 : i32 to index
        %get3A_286 = arith.constant 80 : index
        %get3A_287 = tpu.vector_load %arg13[%get3A_284, %get3A_285, %get3A_286] {strides = array<i32>} : memref<2x10x128xf32, #tpu.memory_space<vmem>>, vector<1x1x16xf32>,
        %get3A_288 = vector.shape_cast %get3A_287 : vector<1x1x16xf32> to vector<16xf32>
        %add3A_289 = arith.addf %add3A_283, %get3A_288 : vector<16xf32>
        %mul3A_290 = arith.constant 0.00999999977 : f32
        %mul3A_291 = vector.broadcast %mul3A_290 : f32 to vector<16xf32>
        %mul3A_292 = arith.mulf %add3A_289, %mul3A_291 : vector<16xf32>
        %max3A_293 = arith.maximumf %add3A_289, %mul3A_292 : vector<16xf32>
        %swap3A_294 = arith.index_cast %rem3A_69 : i32 to index
        %swap3A_295 = arith.index_cast %scan3A_116 : i32 to index
        %swap3A_296 = arith.constant 80 : index
        %swap3A_297 = tpu.vector_load %arg14[%swap3A_294, %swap3A_295, %swap3A_296] {strides = array<i32>} : memref<2x10x128xf32, #tpu.memory_space<vmem>>, vector<1x1x16xf32>,
        %swap3A_298 = vector.shape_cast %swap3A_297 : vector<1x1x16xf32> to vector<16xf32>
        %swap3A_299 = vector.shape_cast %max3A_293 : vector<16xf32> to vector<1x1x16xf32>
        tpu.vector_store %arg14[%swap3A_294, %swap3A_295, %swap3A_296], %swap3A_299 {strides = array<i32>} : memref<2x10x128xf32, #tpu.memory_space<vmem>>, vector<1x1x16xf32>,
        %mul3A_300 = arith.constant 8 : i32
        %mul3A_301 = arith.muli %scan3A_116, %mul3A_300 : i32
        %add3A_302 = arith.constant 6 : i32
        %add3A_303 = arith.addi %mul3A_301, %add3A_302 : i32
        %get3A_304 = arith.index_cast %rem3A_69 : i32 to index
        %get3A_305 = arith.index_cast %add3A_303 : i32 to index
        %get3A_306 = arith.constant 0 : index
        %get3A_307 = tpu.vector_load %arg11[%get3A_304, %get3A_305, %get3A_306] {strides = array<i32>} : memref<2x80x16xf32, #tpu.memory_space<vmem>>, vector<1x1x16xf32>,
        %get3A_308 = vector.shape_cast %get3A_307 : vector<1x1x16xf32> to vector<16xf32>
        %get3A_309 = arith.index_cast %rem3A_69 : i32 to index
        %get3A_310 = arith.index_cast %add3A_303 : i32 to index
        %get3A_311 = arith.constant 0 : index
        %get3A_312 = tpu.vector_load %arg12[%get3A_309, %get3A_310, %get3A_311] {strides = array<i32>} : memref<2x80x16xf32, #tpu.memory_space<vmem>>, vector<1x1x16xf32>,
        %get3A_313 = vector.shape_cast %get3A_312 : vector<1x1x16xf32> to vector<16xf32>
        %add3A_314 = arith.addf %get3A_308, %get3A_313 : vector<16xf32>
        %get3A_315 = arith.index_cast %rem3A_69 : i32 to index
        %get3A_316 = arith.index_cast %scan3A_116 : i32 to index
        %get3A_317 = arith.constant 96 : index
        %get3A_318 = tpu.vector_load %arg13[%get3A_315, %get3A_316, %get3A_317] {strides = array<i32>} : memref<2x10x128xf32, #tpu.memory_space<vmem>>, vector<1x1x16xf32>,
        %get3A_319 = vector.shape_cast %get3A_318 : vector<1x1x16xf32> to vector<16xf32>
        %add3A_320 = arith.addf %add3A_314, %get3A_319 : vector<16xf32>
        %mul3A_321 = arith.constant 0.00999999977 : f32
        %mul3A_322 = vector.broadcast %mul3A_321 : f32 to vector<16xf32>
        %mul3A_323 = arith.mulf %add3A_320, %mul3A_322 : vector<16xf32>
        %max3A_324 = arith.maximumf %add3A_320, %mul3A_323 : vector<16xf32>
        %swap3A_325 = arith.index_cast %rem3A_69 : i32 to index
        %swap3A_326 = arith.index_cast %scan3A_116 : i32 to index
        %swap3A_327 = arith.constant 96 : index
        %swap3A_328 = tpu.vector_load %arg14[%swap3A_325, %swap3A_326, %swap3A_327] {strides = array<i32>} : memref<2x10x128xf32, #tpu.memory_space<vmem>>, vector<1x1x16xf32>,
        %swap3A_329 = vector.shape_cast %swap3A_328 : vector<1x1x16xf32> to vector<16xf32>
        %swap3A_330 = vector.shape_cast %max3A_324 : vector<16xf32> to vector<1x1x16xf32>
        tpu.vector_store %arg14[%swap3A_325, %swap3A_326, %swap3A_327], %swap3A_330 {strides = array<i32>} : memref<2x10x128xf32, #tpu.memory_space<vmem>>, vector<1x1x16xf32>,
        %mul3A_331 = arith.constant 8 : i32
        %mul3A_332 = arith.muli %scan3A_116, %mul3A_331 : i32
        %add3A_333 = arith.constant 7 : i32
        %add3A_334 = arith.addi %mul3A_332, %add3A_333 : i32
        %get3A_335 = arith.index_cast %rem3A_69 : i32 to index
        %get3A_336 = arith.index_cast %add3A_334 : i32 to index
        %get3A_337 = arith.constant 0 : index
        %get3A_338 = tpu.vector_load %arg11[%get3A_335, %get3A_336, %get3A_337] {strides = array<i32>} : memref<2x80x16xf32, #tpu.memory_space<vmem>>, vector<1x1x16xf32>,
        %get3A_339 = vector.shape_cast %get3A_338 : vector<1x1x16xf32> to vector<16xf32>
        %get3A_340 = arith.index_cast %rem3A_69 : i32 to index
        %get3A_341 = arith.index_cast %add3A_334 : i32 to index
        %get3A_342 = arith.constant 0 : index
        %get3A_343 = tpu.vector_load %arg12[%get3A_340, %get3A_341, %get3A_342] {strides = array<i32>} : memref<2x80x16xf32, #tpu.memory_space<vmem>>, vector<1x1x16xf32>,
        %get3A_344 = vector.shape_cast %get3A_343 : vector<1x1x16xf32> to vector<16xf32>
        %add3A_345 = arith.addf %get3A_339, %get3A_344 : vector<16xf32>
        %get3A_346 = arith.index_cast %rem3A_69 : i32 to index
        %get3A_347 = arith.index_cast %scan3A_116 : i32 to index
        %get3A_348 = arith.constant 112 : index
        %get3A_349 = tpu.vector_load %arg13[%get3A_346, %get3A_347, %get3A_348] {strides = array<i32>} : memref<2x10x128xf32, #tpu.memory_space<vmem>>, vector<1x1x16xf32>,
        %get3A_350 = vector.shape_cast %get3A_349 : vector<1x1x16xf32> to vector<16xf32>
        %add3A_351 = arith.addf %add3A_345, %get3A_350 : vector<16xf32>
        %mul3A_352 = arith.constant 0.00999999977 : f32
        %mul3A_353 = vector.broadcast %mul3A_352 : f32 to vector<16xf32>
        %mul3A_354 = arith.mulf %add3A_351, %mul3A_353 : vector<16xf32>
        %max3A_355 = arith.maximumf %add3A_351, %mul3A_354 : vector<16xf32>
        %swap3A_356 = arith.index_cast %rem3A_69 : i32 to index
        %swap3A_357 = arith.index_cast %scan3A_116 : i32 to index
        %swap3A_358 = arith.constant 112 : index
        %swap3A_359 = tpu.vector_load %arg14[%swap3A_356, %swap3A_357, %swap3A_358] {strides = array<i32>} : memref<2x10x128xf32, #tpu.memory_space<vmem>>, vector<1x1x16xf32>,
        %swap3A_360 = vector.shape_cast %swap3A_359 : vector<1x1x16xf32> to vector<16xf32>
        %swap3A_361 = vector.shape_cast %max3A_355 : vector<16xf32> to vector<1x1x16xf32>
        tpu.vector_store %arg14[%swap3A_356, %swap3A_357, %swap3A_358], %swap3A_361 {strides = array<i32>} : memref<2x10x128xf32, #tpu.memory_space<vmem>>, vector<1x1x16xf32>,
      }
      %scan3A_112 = arith.constant 10 : i32
      %mul3A_113 = arith.constant 10 : i32
      %mul3A_114 = arith.muli %scan3A_67, %mul3A_113 : i32
      %add3A_115 = arith.addi %select_n3A, %mul3A_114 : i32
      "tpu.region"() ({
        %run_scoped3A = tpu.sem_alloc : memref<!tpu.dma_semaphore, #tpu.memory_space<semaphore_mem>>
        %dma_start3A_116 = arith.constant 0 : i32
        %dma_start3A_117 = arith.constant 0 : i32
        %dma_start3A_118 = tpu.memref_slice %arg14[%rem3A_69, %dma_start3A_116, %dma_start3A_117] : memref<2x10x128xf32, #tpu.memory_space<vmem>> -> memref<1x10x128xf32, #tpu.memory_space<vmem>>
        %dma_start3A_119 = tpu.memref_squeeze %dma_start3A_118 : memref<1x10x128xf32, #tpu.memory_space<vmem>> -> memref<10x128xf32, #tpu.memory_space<vmem>>
        %dma_start3A_120 = arith.constant 0 : i32
        %dma_start3A_121 = tpu.memref_slice %arg8[%add3A_115, %dma_start3A_120] : memref<40000x128xf32, #tpu.memory_space<hbm>> -> memref<10x128xf32, #tpu.memory_space<hbm>>
        %dma_start3A_122 = arith.constant 0 : i32
        %dma_start3A_123 = tpu.memref_slice %arg8[%add3A_115, %dma_start3A_122] : memref<40000x128xf32, #tpu.memory_space<hbm>> -> memref<10x128xf32, #tpu.memory_space<hbm>>
        %dma_start3A_124 = arith.constant 0 : i32
        %dma_start3A_125 = arith.constant 0 : i32
        %dma_start3A_126 = tpu.memref_slice %arg14[%rem3A_69, %dma_start3A_124, %dma_start3A_125] : memref<2x10x128xf32, #tpu.memory_space<vmem>> -> memref<1x10x128xf32, #tpu.memory_space<vmem>>
        %dma_start3A_127 = tpu.memref_squeeze %dma_start3A_126 : memref<1x10x128xf32, #tpu.memory_space<vmem>> -> memref<10x128xf32, #tpu.memory_space<vmem>>
        tpu.enqueue_dma source(%dma_start3A_127 : memref<10x128xf32, #tpu.memory_space<vmem>>) target(%dma_start3A_123 : memref<10x128xf32, #tpu.memory_space<hbm>>) target_semaphore(%run_scoped3A : memref<!tpu.dma_semaphore, #tpu.memory_space<semaphore_mem>>)
        %dma_wait3A_128 = arith.constant 0 : i32
        %dma_wait3A_129 = arith.constant 0 : i32
        %dma_wait3A_130 = tpu.memref_slice %arg14[%rem3A_69, %dma_wait3A_128, %dma_wait3A_129] : memref<2x10x128xf32, #tpu.memory_space<vmem>> -> memref<1x10x128xf32, #tpu.memory_space<vmem>>
        %dma_wait3A_131 = tpu.memref_squeeze %dma_wait3A_130 : memref<1x10x128xf32, #tpu.memory_space<vmem>> -> memref<10x128xf32, #tpu.memory_space<vmem>>
        %dma_wait3A_132 = arith.constant 0 : i32
        %dma_wait3A_133 = tpu.memref_slice %arg8[%add3A_115, %dma_wait3A_132] : memref<40000x128xf32, #tpu.memory_space<hbm>> -> memref<10x128xf32, #tpu.memory_space<hbm>>
        %dma_wait3A_134 = arith.constant 0 : i32
        %dma_wait3A_135 = tpu.memref_slice %arg8[%add3A_115, %dma_wait3A_134] : memref<40000x128xf32, #tpu.memory_space<hbm>> -> memref<10x128xf32, #tpu.memory_space<hbm>>
        %dma_wait3A_136 = arith.constant 0 : i32
        %dma_wait3A_137 = arith.constant 0 : i32
        %dma_wait3A_138 = tpu.memref_slice %arg14[%rem3A_69, %dma_wait3A_136, %dma_wait3A_137] : memref<2x10x128xf32, #tpu.memory_space<vmem>> -> memref<1x10x128xf32, #tpu.memory_space<vmem>>
        %dma_wait3A_139 = tpu.memref_squeeze %dma_wait3A_138 : memref<1x10x128xf32, #tpu.memory_space<vmem>> -> memref<10x128xf32, #tpu.memory_space<vmem>>
        tpu.wait_dma2 semaphore(%run_scoped3A : memref<!tpu.dma_semaphore, #tpu.memory_space<semaphore_mem>>) src(%dma_wait3A_139 : memref<10x128xf32, #tpu.memory_space<vmem>>) dst(%dma_wait3A_135 : memref<10x128xf32, #tpu.memory_space<hbm>>)
        tpu.yield
      }) : () -> ()
    }
    %scan3A_66 = arith.constant 125 : i32
    return
  }
}

module attributes {stable_mosaic.version = 14 : i64} {
  func.func @_tc_node_tables_body(%arg0: i32, %arg1: memref<1000x128xf32, #tpu.memory_space<vmem>>, %arg2: memref<16x128xf32, #tpu.memory_space<vmem>>, %arg3: memref<16x128xf32, #tpu.memory_space<vmem>>, %arg4: memref<1000x16xf32, #tpu.memory_space<vmem>>, %arg5: memref<1000x16xf32, #tpu.memory_space<vmem>>) attributes {dimension_semantics = [#tpu.dimension_semantics<arbitrary>], iteration_bounds = array<i64: 10>, scalar_prefetch = 0 : i64, scratch_operands = 0 : i64, tpu.core_type = #tpu.core_type<tc>, window_params = [{transform_indices = @transform_0, window_bounds = array<i64: 1000, 128>}, {pipeline_mode = #tpu.pipeline_mode<synchronous>, transform_indices = @transform_1, window_bounds = array<i64: 16, 128>}, {pipeline_mode = #tpu.pipeline_mode<synchronous>, transform_indices = @transform_2, window_bounds = array<i64: 16, 128>}, {transform_indices = @transform_3, window_bounds = array<i64: 1000, 16>}, {transform_indices = @transform_4, window_bounds = array<i64: 1000, 16>}]} {
    %get3A = arith.constant 0 : index
    %get3A_0 = arith.constant 0 : index
    %get3A_1 = vector.load %arg1[%get3A, %get3A_0] : memref<1000x128xf32, #tpu.memory_space<vmem>>, vector<1000x128xf32>
    %get3A_2 = arith.constant 0 : index
    %get3A_3 = arith.constant 0 : index
    %get3A_4 = vector.load %arg2[%get3A_2, %get3A_3] : memref<16x128xf32, #tpu.memory_space<vmem>>, vector<16x128xf32>
    %dot_general3A = arith.constant dense<0.000000e+00> : vector<1000x16xf32>
    %dot_general3A_5 = tpu.matmul %get3A_1, %get3A_4, %dot_general3A {dimension_numbers = #tpu.dot_dimension_numbers<[1], [1], [0], [0], [0, 0, 1, 0], [], []>, transpose_lhs_hint = false} : vector<1000x128xf32>, vector<16x128xf32>, vector<1000x16xf32> -> vector<1000x16xf32>
    %swap3A = arith.constant 0 : index
    %swap3A_6 = arith.constant 0 : index
    %swap3A_7 = vector.load %arg4[%swap3A, %swap3A_6] : memref<1000x16xf32, #tpu.memory_space<vmem>>, vector<1000x16xf32>
    tpu.vector_store %arg4[%swap3A, %swap3A_6], %dot_general3A_5 {strides = array<i32>} : memref<1000x16xf32, #tpu.memory_space<vmem>>, vector<1000x16xf32>,
    %get3A_8 = arith.constant 0 : index
    %get3A_9 = arith.constant 0 : index
    %get3A_10 = vector.load %arg3[%get3A_8, %get3A_9] : memref<16x128xf32, #tpu.memory_space<vmem>>, vector<16x128xf32>
    %dot_general3A_11 = arith.constant dense<0.000000e+00> : vector<1000x16xf32>
    %dot_general3A_12 = tpu.matmul %get3A_1, %get3A_10, %dot_general3A_11 {dimension_numbers = #tpu.dot_dimension_numbers<[1], [1], [0], [0], [0, 0, 1, 0], [], []>, transpose_lhs_hint = false} : vector<1000x128xf32>, vector<16x128xf32>, vector<1000x16xf32> -> vector<1000x16xf32>
    %swap3A_13 = arith.constant 0 : index
    %swap3A_14 = arith.constant 0 : index
    %swap3A_15 = vector.load %arg5[%swap3A_13, %swap3A_14] : memref<1000x16xf32, #tpu.memory_space<vmem>>, vector<1000x16xf32>
    tpu.vector_store %arg5[%swap3A_13, %swap3A_14], %dot_general3A_12 {strides = array<i32>} : memref<1000x16xf32, #tpu.memory_space<vmem>>, vector<1000x16xf32>,
    return
  }
  func.func @transform_0(%arg0: i32) -> (i32, i32) {
    %c0_i32 = arith.constant 0 : i32
    %c0_i32_0 = arith.constant 0 : i32
    return %arg0, %c0_i32 : i32, i32
  }
  func.func @transform_1(%arg0: i32) -> (i32, i32) {
    %c0_i32 = arith.constant 0 : i32
    %c0_i32_0 = arith.constant 0 : i32
    %c0_i32_1 = arith.constant 0 : i32
    return %c0_i32, %c0_i32_0 : i32, i32
  }
  func.func @transform_2(%arg0: i32) -> (i32, i32) {
    %c0_i32 = arith.constant 0 : i32
    %c0_i32_0 = arith.constant 0 : i32
    %c0_i32_1 = arith.constant 0 : i32
    return %c0_i32, %c0_i32_0 : i32, i32
  }
  func.func @transform_3(%arg0: i32) -> (i32, i32) {
    %c0_i32 = arith.constant 0 : i32
    %c0_i32_0 = arith.constant 0 : i32
    return %arg0, %c0_i32 : i32, i32
  }
  func.func @transform_4(%arg0: i32) -> (i32, i32) {
    %c0_i32 = arith.constant 0 : i32
    %c0_i32_0 = arith.constant 0 : i32
    return %arg0, %c0_i32 : i32, i32
  }
}

module attributes {stable_mosaic.version = 14 : i64} {
  func.func @_tc_edge_proj_body(%arg0: i32, %arg1: memref<2000x128xf32, #tpu.memory_space<vmem>>, %arg2: memref<128x128xf32, #tpu.memory_space<vmem>>, %arg3: memref<1x128xf32, #tpu.memory_space<vmem>>, %arg4: memref<2000x128xf32, #tpu.memory_space<vmem>>) attributes {dimension_semantics = [#tpu.dimension_semantics<arbitrary>], iteration_bounds = array<i64: 20>, scalar_prefetch = 0 : i64, scratch_operands = 0 : i64, tpu.core_type = #tpu.core_type<tc>, window_params = [{transform_indices = @transform_0, window_bounds = array<i64: 2000, 128>}, {pipeline_mode = #tpu.pipeline_mode<synchronous>, transform_indices = @transform_1, window_bounds = array<i64: 128, 128>}, {pipeline_mode = #tpu.pipeline_mode<synchronous>, transform_indices = @transform_2, window_bounds = array<i64: 1, 128>}, {transform_indices = @transform_3, window_bounds = array<i64: 2000, 128>}]} {
    %get3A = arith.constant 0 : index
    %get3A_0 = arith.constant 0 : index
    %get3A_1 = vector.load %arg1[%get3A, %get3A_0] : memref<2000x128xf32, #tpu.memory_space<vmem>>, vector<2000x128xf32>
    %get3A_2 = arith.constant 0 : index
    %get3A_3 = arith.constant 0 : index
    %get3A_4 = vector.load %arg2[%get3A_2, %get3A_3] : memref<128x128xf32, #tpu.memory_space<vmem>>, vector<128x128xf32>
    %dot_general3A = arith.constant dense<0.000000e+00> : vector<2000x128xf32>
    %dot_general3A_5 = tpu.matmul %get3A_1, %get3A_4, %dot_general3A {dimension_numbers = #tpu.dot_dimension_numbers<[1], [0], [0], [1], [0, 0, 1, 1], [], []>, transpose_lhs_hint = false} : vector<2000x128xf32>, vector<128x128xf32>, vector<2000x128xf32> -> vector<2000x128xf32>
    %get3A_6 = arith.constant 0 : index
    %get3A_7 = arith.constant 0 : index
    %get3A_8 = vector.load %arg3[%get3A_6, %get3A_7] : memref<1x128xf32, #tpu.memory_space<vmem>>, vector<1x128xf32>
    %add3A = vector.broadcast %get3A_8 : vector<1x128xf32> to vector<2000x128xf32>
    %add3A_9 = arith.addf %dot_general3A_5, %add3A : vector<2000x128xf32>
    %swap3A = arith.constant 0 : index
    %swap3A_10 = arith.constant 0 : index
    %swap3A_11 = vector.load %arg4[%swap3A, %swap3A_10] : memref<2000x128xf32, #tpu.memory_space<vmem>>, vector<2000x128xf32>
    tpu.vector_store %arg4[%swap3A, %swap3A_10], %add3A_9 {strides = array<i32>} : memref<2000x128xf32, #tpu.memory_space<vmem>>, vector<2000x128xf32>,
    return
  }
  func.func @transform_0(%arg0: i32) -> (i32, i32) {
    %c0_i32 = arith.constant 0 : i32
    %c0_i32_0 = arith.constant 0 : i32
    return %arg0, %c0_i32 : i32, i32
  }
  func.func @transform_1(%arg0: i32) -> (i32, i32) {
    %c0_i32 = arith.constant 0 : i32
    %c0_i32_0 = arith.constant 0 : i32
    %c0_i32_1 = arith.constant 0 : i32
    return %c0_i32, %c0_i32_0 : i32, i32
  }
  func.func @transform_2(%arg0: i32) -> (i32, i32) {
    %c0_i32 = arith.constant 0 : i32
    %c0_i32_0 = arith.constant 0 : i32
    %c0_i32_1 = arith.constant 0 : i32
    return %c0_i32, %c0_i32_0 : i32, i32
  }
  func.func @transform_3(%arg0: i32) -> (i32, i32) {
    %c0_i32 = arith.constant 0 : i32
    %c0_i32_0 = arith.constant 0 : i32
    return %arg0, %c0_i32 : i32, i32
  }
}

module attributes {stable_mosaic.version = 14 : i64} {
  func.func @_tc_node_out_body(%arg0: i32, %arg1: memref<1000x128xf32, #tpu.memory_space<vmem>>, %arg2: memref<1000x32xf32, #tpu.memory_space<vmem>>, %arg3: memref<128x128xf32, #tpu.memory_space<vmem>>, %arg4: memref<1x128xf32, #tpu.memory_space<vmem>>, %arg5: memref<1000x128xf32, #tpu.memory_space<vmem>>) attributes {dimension_semantics = [#tpu.dimension_semantics<arbitrary>], iteration_bounds = array<i64: 10>, scalar_prefetch = 0 : i64, scratch_operands = 0 : i64, tpu.core_type = #tpu.core_type<tc>, window_params = [{transform_indices = @transform_0, window_bounds = array<i64: 1000, 128>}, {transform_indices = @transform_1, window_bounds = array<i64: 1000, 32>}, {pipeline_mode = #tpu.pipeline_mode<synchronous>, transform_indices = @transform_2, window_bounds = array<i64: 128, 128>}, {pipeline_mode = #tpu.pipeline_mode<synchronous>, transform_indices = @transform_3, window_bounds = array<i64: 1, 128>}, {transform_indices = @transform_4, window_bounds = array<i64: 1000, 128>}]} {
    %get3A = arith.constant 0 : index
    %get3A_0 = arith.constant 0 : index
    %get3A_1 = vector.load %arg2[%get3A, %get3A_0] : memref<1000x32xf32, #tpu.memory_space<vmem>>, vector<1000x1xf32>
    %get3A_2 = arith.constant 0 : index
    %get3A_3 = arith.constant 16 : index
    %get3A_4 = vector.load %arg2[%get3A_2, %get3A_3] : memref<1000x32xf32, #tpu.memory_space<vmem>>, vector<1000x1xf32>
    %add3A = arith.addf %get3A_1, %get3A_4 : vector<1000x1xf32>
    %get3A_5 = arith.constant 0 : index
    %get3A_6 = arith.constant 0 : index
    %get3A_7 = vector.load %arg1[%get3A_5, %get3A_6] : memref<1000x128xf32, #tpu.memory_space<vmem>>, vector<1000x128xf32>
    %get3A_8 = arith.constant 0 : index
    %get3A_9 = arith.constant 0 : index
    %get3A_10 = vector.load %arg3[%get3A_8, %get3A_9] : memref<128x128xf32, #tpu.memory_space<vmem>>, vector<128x128xf32>
    %dot_general3A = arith.constant dense<0.000000e+00> : vector<1000x128xf32>
    %dot_general3A_11 = tpu.matmul %get3A_7, %get3A_10, %dot_general3A {dimension_numbers = #tpu.dot_dimension_numbers<[1], [1], [0], [0], [0, 0, 1, 0], [], []>, transpose_lhs_hint = false} : vector<1000x128xf32>, vector<128x128xf32>, vector<1000x128xf32> -> vector<1000x128xf32>
    %max3A = arith.constant 1.000000e+00 : f32
    %max3A_12 = vector.broadcast %max3A : f32 to vector<1000x1xf32>
    %max3A_13 = arith.maximumf %add3A, %max3A_12 : vector<1000x1xf32>
    %div3A = vector.broadcast %max3A_13 : vector<1000x1xf32> to vector<1000x128xf32>
    %div3A_14 = arith.divf %dot_general3A_11, %div3A : vector<1000x128xf32>
    %gt3A = arith.constant 0.000000e+00 : f32
    %gt3A_15 = vector.broadcast %gt3A : f32 to vector<1000x1xf32>
    %gt3A_16 = arith.cmpf ogt, %add3A, %gt3A_15 : vector<1000x1xf32>
    %get3A_17 = arith.constant 0 : index
    %get3A_18 = arith.constant 0 : index
    %get3A_19 = vector.load %arg4[%get3A_17, %get3A_18] : memref<1x128xf32, #tpu.memory_space<vmem>>, vector<1x128xf32>
    %jit3A = arith.constant 0.000000e+00 : f32
    %broadcast_in_dim3A = vector.shape_cast %gt3A_16 : vector<1000x1xi1> to vector<1000x1xi1>
    %broadcast_in_dim3A_20 = vector.broadcast %broadcast_in_dim3A : vector<1000x1xi1> to vector<1000x128xi1>
    %broadcast_in_dim3A_21 = vector.shape_cast %get3A_19 : vector<1x128xf32> to vector<1x128xf32>
    %broadcast_in_dim3A_22 = vector.broadcast %broadcast_in_dim3A_21 : vector<1x128xf32> to vector<1000x128xf32>
    %broadcast_in_dim3A_23 = vector.broadcast %jit3A : f32 to vector<1000x128xf32>
    %select_n3A = arith.select %broadcast_in_dim3A_20, %broadcast_in_dim3A_22, %broadcast_in_dim3A_23 : vector<1000x128xi1>, vector<1000x128xf32>
    %add3A_24 = arith.addf %div3A_14, %select_n3A : vector<1000x128xf32>
    %swap3A = arith.constant 0 : index
    %swap3A_25 = arith.constant 0 : index
    %swap3A_26 = vector.load %arg5[%swap3A, %swap3A_25] : memref<1000x128xf32, #tpu.memory_space<vmem>>, vector<1000x128xf32>
    tpu.vector_store %arg5[%swap3A, %swap3A_25], %add3A_24 {strides = array<i32>} : memref<1000x128xf32, #tpu.memory_space<vmem>>, vector<1000x128xf32>,
    return
  }
  func.func @transform_0(%arg0: i32) -> (i32, i32) {
    %c0_i32 = arith.constant 0 : i32
    %c0_i32_0 = arith.constant 0 : i32
    return %arg0, %c0_i32 : i32, i32
  }
  func.func @transform_1(%arg0: i32) -> (i32, i32) {
    %c0_i32 = arith.constant 0 : i32
    %c0_i32_0 = arith.constant 0 : i32
    return %arg0, %c0_i32 : i32, i32
  }
  func.func @transform_2(%arg0: i32) -> (i32, i32) {
    %c0_i32 = arith.constant 0 : i32
    %c0_i32_0 = arith.constant 0 : i32
    %c0_i32_1 = arith.constant 0 : i32
    return %c0_i32, %c0_i32_0 : i32, i32
  }
  func.func @transform_3(%arg0: i32) -> (i32, i32) {
    %c0_i32 = arith.constant 0 : i32
    %c0_i32_0 = arith.constant 0 : i32
    %c0_i32_1 = arith.constant 0 : i32
    return %c0_i32, %c0_i32_0 : i32, i32
  }
  func.func @transform_4(%arg0: i32) -> (i32, i32) {
    %c0_i32 = arith.constant 0 : i32
    %c0_i32_0 = arith.constant 0 : i32
    return %arg0, %c0_i32 : i32, i32
  }
}

</mosaic_0001>

<sc_bundles>
// kernel: kernel.10.cloned.1.call-start
scs
__scs_entry_jumppad:
0x0: {  	(pc) =	sbr.rel $0x88, $3  }
0x1: {  	(tag) =	ssettag $0x0;
	lr =	simm.s32 $0x1  }
0x2: {  	[smem:$0x3F98] =	sst lr;
	_ =	strace $0xD0000000  }
0x3: {  	_ = 	snop  }
0x4: {  	_ = 	snop  }
0x5: {  	_ = 	snop  }
0x6: {  	_ = 	snop  }
0x7: {  	_ = 	snop  }
__scs_overlays_trampoline_lowered:
0x8: {  	[smem:$0x3FA7] =	sst s0  }
0x9: {  	[smem:$0x3FA8] =	sst s1  }
0xa: {  	[smem:$0x3FA9] =	sst s2  }
0xb: {  	[smem:$0x3FAA] =	sst s3  }
0xc: {  	[smem:$0x3FAB] =	sst s4  }
0xd: {  	[smem:$0x3FAC] =	sst s5  }
0xe: {  	[smem:$0x3FAD] =	sst s6  }
0xf: {  	[smem:$0x3FAE] =	sst s7  }
0x10: {  	[smem:$0x3FAF] =	sst s8  }
0x11: {  	[smem:$0x3FB0] =	sst s9;
	s0 =	simm.s32 @!p0 $0x0  }
0x12: {  	s1 =	sld [smem:$0x3F96];
	s0 =	simm.s32 @p0 $0x1  }
0x13: {  	[smem:$0x3FB1] =	sst s0;
	s0 =	simm.s32 @!p1 $0x0  }
0x14: {  	s2 =	sld [smem:$0x3F95];
	s0 =	simm.s32 @p1 $0x1  }
0x15: {  	[smem:$0x3FB2] =	sst s0;
	s0 =	simm.s32 @!p2 $0x0  }
0x16: {  	s3 =	sld [smem:$0x3FDB];
	s0 =	simm.s32 @p2 $0x1  }
0x17: {  	s4 =	simm.s32 $0x1BF5;
	[smem:$0x3FB4] =	sst s0  }
0x18: {  	s0 =	sld [smem:$0x3F97];
	_ =	swait.ge [sflag:s4], $0x0  }
0x19: {  	s7 =	sld [smem:$0x3F98]  }
0x1a: {  	s8 =	sadd.s32 $0xFFFFE003, lr  }
0x1b: {  	s9 =	sadd.s32 $0xFFFFFEF7, lr;
	s5 =	simm.s32 $0xFFFFFFFF;
	p2 =	slt.u32 s8, $0xFFFFF086  }
0x1c: {  	p1 =	slt.u32 s9, $0xF7A;
	s5 =	simm.s32 @!p2 $0x0  }
0x1d: {  	s5 =	simm.s32 @p1 $0x1;
	p0 =	seq.s32 s7, s2  }
0x1e: {  	s7 =	smul.u32 @!p0 $0xF7A, s2;
	p2 =	seq.s32 @!p0 s5, $0x0  }
0x1f: {  	s9 =	smul.u32 $0xF7A, s1;
	s8 =	simm.s32 @!p0 $0x1BF5;
	p2 =	por !p2, p0  }
0x20: {  	[sflag:s8] =	ssyncset.s32 @!p0 $0xFFFFF086;
	s6 =	sadd.s32 @!p0 s3, s7;
	s7 =	simm.s32 @!p0 $0x108  }
0x21: {  	s3 =	sadd.s32 s3, s9;
	s6 =	sadd.s32 @!p0 $0x88, s6;
	s7 =	simm.s32 @p2 $0x1082  }
0x22: {  	[simem:s7], [sflag:s8] =	dma.local @!p0 [hbm:s6], $0xF7A  }
0x23: {  	s9 =	sor.u32 $0xD0000000, s2;
	s6 =	simm.s32 $0x108;
	_ =	swait.ge @!p0 [sflag:s8], $0x0  }
0x24: {  	s3 =	sadd.s32 $0x88, s3;
	s6 =	simm.s32 @!p1 $0x1082;
	[sflag:s4] =	ssyncset.s32 $0xFFFFF086  }
0x25: {  	[simem:s6], [sflag:s4] =	dma.local [hbm:s3], $0xF7A  }
0x26: {  	[smem:$0x3F98] =	sst s1;
	(tag) =	ssettag s2;
	_ =	strace s9  }
0x27: {  	s1 =	sld [smem:$0x3FA8]  }
0x28: {  	s2 =	sld [smem:$0x3FA9]  }
0x29: {  	s4 =	sld [smem:$0x3FAB]  }
0x2a: {  	p0 =	seq.s32 s5, $0x0;
	s5 =	sld [smem:$0x3FAC]  }
0x2b: {  	s6 =	sld [smem:$0x3FAD]  }
0x2c: {  	s7 =	sld [smem:$0x3FAE]  }
0x2d: {  	s3 =	simm.s32 $0x108;
	s8 =	sld [smem:$0x3FAF]  }
0x2e: {  	s3 =	simm.s32 @!p0 $0x1082;
	s9 =	sld [smem:$0x3FB0]  }
0x2f: {  	lr =	sadd.s32 s0, s3;
	s0 =	sld [smem:$0x3FA7]  }
0x30: {  	s3 =	sld [smem:$0x3FAA]  }
0x31: {  	[smem:$0x3FB3] =	sst s10  }
0x32: {  	s10 =	sld [smem:$0x3FB1];
	_ =	sdelay $0x3  }
0x33: {  	p0 =	seq.s32 s10, $0x1;
	s10 =	sld [smem:$0x3FB3];
	_ =	sdelay $0x3  }
0x34: {  	[smem:$0x3FB3] =	sst s10  }
0x35: {  	s10 =	sld [smem:$0x3FB2];
	_ =	sdelay $0x3  }
0x36: {  	p1 =	seq.s32 s10, $0x1;
	s10 =	sld [smem:$0x3FB3];
	_ =	sdelay $0x3  }
0x37: {  	[smem:$0x3FB3] =	sst s10  }
0x38: {  	s10 =	sld [smem:$0x3FB4]  }
0x39: {  	_ = 	snop;
	(pc) =	sbr.ind lr, $3  }
0x3a: {  	_ = 	snop  }
0x3b: {  	_ = 	snop  }
0x3c: {  	p2 =	seq.s32 s10, $0x1;
	s10 =	sld [smem:$0x3FB3]  }
0x3d: {  	_ =	shalt  }
0x3e: {  	_ =	shalt  }
0x3f: {  	_ =	shalt  }
0x40: {  	_ =	shalt  }
0x41: {  	_ =	shalt  }
0x42: {  	_ =	shalt  }
0x43: {  	_ =	shalt  }
0x44: {  	_ =	shalt  }
0x45: {  	_ =	shalt  }
0x46: {  	_ =	shalt  }
0x47: {  	_ =	shalt  }
0x48: {  	_ =	shalt  }
0x49: {  	_ =	shalt  }
0x4a: {  	_ =	shalt  }
0x4b: {  	_ =	shalt  }
0x4c: {  	_ =	shalt  }
0x4d: {  	_ =	shalt  }
0x4e: {  	_ =	shalt  }
0x4f: {  	_ =	shalt  }
0x50: {  	_ =	shalt  }
0x51: {  	_ =	shalt  }
0x52: {  	_ =	shalt  }
0x53: {  	_ =	shalt  }
0x54: {  	_ =	shalt  }
0x55: {  	_ =	shalt  }
0x56: {  	_ =	shalt  }
0x57: {  	_ =	shalt  }
0x58: {  	_ =	shalt  }
0x59: {  	_ =	shalt  }
0x5a: {  	_ =	shalt  }
0x5b: {  	_ =	shalt  }
0x5c: {  	_ =	shalt  }
0x5d: {  	_ =	shalt  }
0x5e: {  	_ =	shalt  }
0x5f: {  	_ =	shalt  }
0x60: {  	_ =	shalt  }
0x61: {  	_ =	shalt  }
0x62: {  	_ =	shalt  }
0x63: {  	_ =	shalt  }
0x64: {  	_ =	shalt  }
0x65: {  	_ =	shalt  }
0x66: {  	_ =	shalt  }
0x67: {  	_ =	shalt  }
0x68: {  	_ =	shalt  }
0x69: {  	_ =	shalt  }
0x6a: {  	_ =	shalt  }
0x6b: {  	_ =	shalt  }
0x6c: {  	_ =	shalt  }
0x6d: {  	_ =	shalt  }
0x6e: {  	_ =	shalt  }
0x6f: {  	_ =	shalt  }
0x70: {  	_ =	shalt  }
0x71: {  	_ =	shalt  }
0x72: {  	_ =	shalt  }
0x73: {  	_ =	shalt  }
0x74: {  	_ =	shalt  }
0x75: {  	_ =	shalt  }
0x76: {  	_ =	shalt  }
0x77: {  	_ =	shalt  }
0x78: {  	_ =	shalt  }
0x79: {  	_ =	shalt  }
0x7a: {  	_ =	shalt  }
0x7b: {  	_ =	shalt  }
0x7c: {  	_ =	shalt  }
0x7d: {  	_ =	shalt  }
0x7e: {  	_ =	shalt  }
0x7f: {  	_ =	shalt  }
0x80: {  	_ =	shalt  }
0x81: {  	_ =	shalt  }
0x82: {  	_ =	shalt  }
0x83: {  	_ =	shalt  }
0x84: {  	_ =	shalt  }
0x85: {  	_ =	shalt  }
0x86: {  	_ =	shalt  }
0x87: {  	_ =	shalt  }
.Lfunc_end0:
.L_simem_size_0:
called_computation.1_lowered:
.L_overlay_start_0:
0x88: {  	s2 =	sld [smem:$0x3FD9]  }
0x89: {  	s3 =	sld [smem:$0x3FFE];
	_ =	sdelay $0x1  }
0x8a: {  	s1 =	srdreg.scid  }
0x8b: {  	s0 =	sand.u32 $0x1, s1  }
0x8c: {  	s14 =	sshll.u32 s0, $0xA;
	s2 =	sadd.s32 s3, s2  }
0x8d: {  	s2 =	sadd.s32 s2, s14  }
0x8e: {  	[smem:$0x3FBF] =	sst s2  }
0x8f: {  	_ = 	snop  }
0x90: {  	s2 =	sld [smem:$0x3FD0];
	_ =	sdelay $0x2  }
0x91: {  	s15 =	simm.s32 $0xA;
	s4 =	simm.s32 $0x10  }
0x92: {  	[smem:s4], [sflag:s15] =	dma.local [hbm:s2], $0x1  }
0x93: {  	_ =	swait.eq [sflag:s15], $0x1  }
0x94: {  	[sflag:s15] =	ssyncset.done $0x0  }
0x95: {  	[sflag:s15] =	ssyncadd.s32 $0xFFFFFFFF  }
0x96: {  	s16 =	sld [smem:$0x11];
	(tm) =	ssettm $0x1  }
0x97: {  	s17 =	sld [smem:$0x3FFB];
	_ =	sdelay $0x3  }
0x98: {  	_ =	strace s17  }
0x99: {  	s3 =	sld [smem:$0x3FFC];
	_ =	sdelay $0x3  }
0x9a: {  	_ =	strace s3  }
0x9b: {  	s3 =	sld [smem:$0x3FFD];
	_ =	sdelay $0x3  }
0x9c: {  	_ =	strace s3  }
0x9d: {  	_ =	strace $0x8FFFFFFF  }
0x9e: {  	s18 =	sld [smem:$0x3FDB];
	_ =	sdelay $0x1  }
0x9f: {  	s19 =	simm.s32 $_scs_section_size  }
0xa0: {  	s5 =	simm.s32 $_size__tile_overlayer_lowered;
	s6 =	simm.s32 $_tile_overlayer_lowered  }
0xa1: {  	s22 =	simm.s32 $0x1BFF;
	s21 =	sshll.u32 s6, $0x1;
	s3 =	sadd.s32 s19, s18  }
0xa2: {  	s7 =	simm.s32 $0x0;
	s20 =	sshll.u32 s5, $0x1;
	s5 =	sadd.s32 s21, s3  }
0xa3: {  	[timem:s7], [sflag:s22] =	dma.local [hbm:s5], s20  }
0xa4: {  	_ =	swait.ge [sflag:s22], s20  }
0xa5: {  	s4 =	ssub.s32 $0x0, s20;
	[sflag:s22] =	ssyncset.done $0x0  }
0xa6: {  	[sflag:s22] =	ssyncadd.s32 s4;
	_ =	sdelay $0x1  }
0xa7: {  	s23 =	simm.s32 $0x1B8B  }
0xa8: {  	_ =	swait.ge [sflag:s23], $0x1  }
0xa9: {  	[sflag:s23] =	ssyncset.done $0x0  }
0xaa: {  	s25 =	simm.s32 $0x1B8E;
	s24 =	sld [smem:$0x3FFE];
	[sflag:s23] =	ssyncadd.s32 $0xFFFFFFFF  }
0xab: {  	s26 =	simm.s32 $execute0_lowered;
	[smem:$0x3FD2] =	sst s25  }
0xac: {  	s5 =	sshll.u32 s26, $0x1;
	_ =	strace $0x80000049;
	[dreg:$0x1] =	wrdreg $0xFFFFFFFF  }
0xad: {  	s28 =	simm.s32 $_size_execute0_lowered;
	s3 =	sadd.s32 s3, s5;
	[dreg:$0x0] =	wrdreg $0x0  }
0xae: {  	s5 =	sshll.u32 s28, $0x1;
	[dreg:$0x2] =	wrdreg s3  }
0xaf: {  	[dreg:$0x3] =	wrdreg s5  }
0xb0: {  	[dreg:$0x4] =	wrdreg $0xC0  }
0xb1: {  	_ =	task [dreg:s7], $0x5FFFF  }
0xb2: {  	[dreg:$0x1] =	wrdreg $0xFFFFFFFF  }
0xb3: {  	[dreg:$0x0] =	wrdreg $0x60  }
0xb4: {  	[dreg:$0x2] =	wrdreg s24  }
0xb5: {  	[dreg:$0x3] =	wrdreg s16  }
0xb6: {  	[dreg:$0x4] =	wrdreg $0x9  }
0xb7: {  	_ =	task.clear_ibuf [dreg:s7], $0x5FFFF;
	_ =	strace $0x90000049  }
0xb8: {  	s29 =	simm.s32 $0x9;
	_ =	strace $0x8000004B  }
0xb9: {  	_ =	swait.ge [sflag:s29], $0x1  }
0xba: {  	[sflag:s29] =	ssyncadd.s32 $0xFFFFFFFF  }
0xbb: {  	_ =	strace $0x9000004B  }
0xbc: {  	_ =	sfence  }
0xbd: {  	s30 =	sld [smem:$0x0];
	_ =	sdelay $0x2  }
0xbe: {  	s31 =	sshll.u32 s1, $0xD;
	s1 =	sshrl.u32 s1, $0x2  }
0xbf: {  	s3 =	sand.u32 $0x4000, s31;
	s1 =	sadd.s32 s1, s30  }
0xc0: {  	s0 =	sor.u32 s3, s0;
	s1 =	sshll.u32 s1, $0x11  }
0xc1: {  	s0 =	sor.u32 s1, s0  }
0xc2: {  	s0 =	sadd.s32 $0x8F2B, s0  }
0xc3: {  	[sflag:s0] =	ssyncadd.remote.s32 $0x1  }
0xc4: {  	_ =	sfence.sel $0xFFFF  }
0xc5: {  	[dreg:$0x0] =	wrdreg $0xFFFFFFFF;
	(pc) =	sbr.abs _section_cstart, $3  }
0xc6: {  	[dreg:$0x1] =	wrdreg $0xFFFFFFFF  }
0xc7: {  	_ =	task.clear_ibuf [dreg:s7], $0x2FFFF;
	_ =	strace $0x9FFFFFFF  }
0xc8: {  	(tm) =	ssettm $0x7FFFFFFF  }
0xc9: {  	_ =	shalt  }
tec
execute0_lowered:
.L_overlay_start_1:
0x0: {  	(tag) =	ssettag $0x1  }
0x1: {  	s1 =	srdreg.scid;
	s6 =	rddreg [dreg:$0x0]  }
0x2: {  	s0 =	stileid.u32;
	s2 =	rddreg [dreg:$0x1]  }
0x3: {  	s3 =	simm.s32 $0x0;
	s12 =	simm.s32 $0x2;
	s13 =	simm.s32 $0x2710  }
0x4: {  	s14 =	simm.s32 $0x50;
	s15 =	simm.s32 $0x4E20;
	s16 =	simm.s32 $0x5820  }
0x5: {  	s17 =	simm.s32 $0x6220;
	s18 =	simm.s32 $0x1;
	s19 =	simm.s32 $0x0  }
0x6: {  	s5 =	sand.u32 $0x1, s1;
	s30 =	sshll.u32 s0, $0x1;
	s1 =	rddreg [dreg:$0x2]  }
0x7: {  	[smem:$0x7FF] =	sst s3;
	s7 =	sor.u32 s5, s30;
	s8 =	ssub.s32 $0x2, s5  }
0x8: {  	_ =	strace $0x8000004A;
	s4 =	smul.u32 $0x4E2, s7;
	s31 =	sshrl.u32 s8, $0x1  }
0x9: {  	s5 =	sadd.s32 $0x5B000, s6;
	s10 =	smul.u32 $0x27100, s7;
	s11 =	ssub.s32 s8, s31  }
0xa: {  	s9 =	sadd.s32 s4, s6;
	s4 =	sadd.s32 $0x60000, s6;
	s6 =	sadd.s32 $0x65000, s6  }
0xb: {  	s7 =	sshrl.u32 s10, $0x7;
	s10 =	sshrl.u32 s10, $0x3;
	s11 =	smax.u32 s11, $0x1  }
0xc: {  	s8 =	sadd.s32 $0xB800, s9;
	s9 =	sadd.s32 $0x1A00, s9;
	s10 =	sadd.s32 s2, s10  }
.LBB2_1:
0xd: {  	[tilespmem:s3], [sflag:$0x2] =	stream.linear.gather [hbm4b:s8+s3], $0x2710, $0x38;
	[tilespmem:$0x7620] =	vst v63  }
0xe: {  	_ =	swait.ge [sflag:s12], $0x2710  }
0xf: {  	[sflag:s12] =	ssyncset.done $0x0  }
0x10: {  	[sflag:s12] =	ssyncadd.s32 $0xFFFFD8F0  }
0x11: {  	[tilespmem:s13], [sflag:$0x2] =	stream.linear.gather [hbm4b:s9+s3], $0x2710, $0x38;
	[tilespmem:$0x7620] =	vst v63  }
0x12: {  	_ =	swait.ge [sflag:s12], $0x2710  }
0x13: {  	[sflag:s12] =	ssyncset.done $0x0  }
0x14: {  	[sflag:s12] =	ssyncadd.s32 $0xFFFFD8F0  }
0x15: {  	[tilespmem:s15], [sflag:$0x1] =	stream.indirect.gather [hbm4b:s4+s14], $0x10, s3, s14, $0xb8;
	[tilespmem:$0x7620] =	vst v63  }
0x16: {  	_ = 	snop  }
0x17: {  	[tilespmem:s16], [sflag:$0x1] =	stream.indirect.gather [hbm4b:s5+s14], $0x10, s13, s14, $0xb8;
	[tilespmem:$0x7620] =	vst v63  }
0x18: {  	p0 =	por $0x0, $0x0;
	s21 =	simm.s32 $0x0  }
0x19: {  	[tilespmem:s17], [sflag:$0x1] =	stream.linear.gather [hbm4b:s10+s3], $0x500, $0x38;
	[tilespmem:$0x7620] =	vst v63  }
.LBB2_2:
0x1a: {  	s22 =	sand.u32 $0x1, s21;
	p1 =	seq.s32 s21, $0x7C  }
0x1b: {  	s23 =	sxor.u32 @!p1 $0x1, s22  }
0x1c: {  	s20 =	sadd.s32 $0x1, s21;
	s23 =	smul.u32 @!p1 $0x500, s23  }
0x1d: {  	s24 =	smul.u32 @!p1 $0x50, s20  }
0x1e: {  	s26 =	simm.s32 @!p1 $0x50;
	s25 =	sadd.s32 @!p1 $0x4E20, s23  }
0x1f: {  	[tilespmem:s25], [sflag:$0x1] =	stream.indirect.gather @!p1 [hbm4b:s4+s26], $0x10, s24, s26, $0xb8;
	[tilespmem:$0x7620] =	vst v63  }
0x20: {  	s28 =	smul.u32 @!p1 $0xA, s20;
	s25 =	sor.u32 @!p1 $0x5820, s23;
	s24 =	sadd.s32 @!p1 $0x2710, s24  }
0x21: {  	[tilespmem:s25], [sflag:$0x1] =	stream.indirect.gather @!p1 [hbm4b:s5+s26], $0x10, s24, s26, $0xb8;
	[tilespmem:$0x7620] =	vst v63  }
0x22: {  	s25 =	sadd.s32 @!p1 s7, s28  }
0x23: {  	s23 =	sadd.s32 @!p1 $0x6220, s23;
	s24 =	simm.s32 $0x1;
	s25 =	sshll.u32 @!p1 s25, $0x4  }
0x24: {  	s26 =	simm.s32 @!p1 $0x0;
	s24 =	simm.s32 @!p0 $0x0;
	s25 =	sadd.s32 @!p1 s2, s25  }
0x25: {  	[tilespmem:s23], [sflag:$0x1] =	stream.linear.gather @!p1 [hbm4b:s25+s26], $0x500, $0x38;
	[tilespmem:$0x7620] =	vst v63  }
0x26: {  	s29 =	smul.u32 $0x1400, s24;
	_ =	swait.ge [sflag:s18], $0x500  }
0x27: {  	[sflag:s18] =	ssyncset.done $0x0  }
0x28: {  	s24 =	sshrl.u32 s29, $0x2;
	[sflag:s18] =	ssyncadd.s32 $0xFFFFFB00  }
0x29: {  	s23 =	sadd.s32 $0x4E60, s24;
	_ =	swait.ge [sflag:s18], $0x500  }
0x2a: {  	s30 =	sor.u32 $0x5860, s24;
	v0 =	vmov s23;
	[sflag:s18] =	ssyncset.done $0x0  }
0x2b: {  	v1 =	vmov s30;
	[sflag:s18] =	ssyncadd.s32 $0xFFFFFB00  }
0x2c: {  	s31 =	sadd.s32 $0x6220, s24;
	_ =	swait.ge [sflag:s18], $0x500  }
0x2d: {  	v3 =	vmov s31;
	[sflag:s18] =	ssyncset.done $0x0  }
0x2e: {  	s23 =	simm.s32 $0x0;
	[sflag:s18] =	ssyncadd.s32 $0xFFFFFB00  }
0x2f: {  	v2 =	vld.idx.msk [tilespmem:v0+s23+$0xFFFFFFC0 ss:$0x1], $0xffff  }
0x30: {  	v4 =	vld.idx.msk [tilespmem:v1+s23+$0xFFFFFFC0 ss:$0x1], $0xffff;
	_ =	sdelay $0x1  }
0x31: {  	v5 =	vld.idx.msk [tilespmem:v3+s23+$0x0 ss:$0x1], $0xffff;
	_ =	sdelay $0x2  }
0x32: {  	v4 =	vadd.f32 v4, v2  }
0x33: {  	s24 =	sadd.s32 $0x6C20, s24  }
0x34: {  	v2 =	vmov s24;
	v4 =	vadd.f32 v5, v4;
	_ =	sdelay $0x1  }
0x35: {  	v5 =	vmul.f32 $9.999999770e-03, v4;
	_ =	sdelay $0x1  }
0x36: {  	v4 =	vmax.f32 v4, v5  }
0x37: {  	[tilespmem:v2+s23+$0x0 ss:$0x1] =	vst.idx.msk $0xffff, v4  }
0x38: {  	v4 =	vld.idx.msk [tilespmem:v0+s23+$0xFFFFFFD0 ss:$0x1], $0xffff  }
0x39: {  	v5 =	vld.idx.msk [tilespmem:v1+s23+$0xFFFFFFD0 ss:$0x1], $0xffff;
	_ =	sdelay $0x1  }
0x3a: {  	v6 =	vld.idx.msk [tilespmem:v3+s23+$0x10 ss:$0x1], $0xffff;
	_ =	sdelay $0x2  }
0x3b: {  	v4 =	vadd.f32 v5, v4;
	_ =	sdelay $0x1  }
0x3c: {  	v4 =	vadd.f32 v6, v4;
	_ =	sdelay $0x1  }
0x3d: {  	v5 =	vmul.f32 $9.999999770e-03, v4;
	_ =	sdelay $0x1  }
0x3e: {  	v4 =	vmax.f32 v4, v5  }
0x3f: {  	[tilespmem:v2+s23+$0x10 ss:$0x1] =	vst.idx.msk $0xffff, v4  }
0x40: {  	v4 =	vld.idx.msk [tilespmem:v0+s23+$0xFFFFFFE0 ss:$0x1], $0xffff  }
0x41: {  	v5 =	vld.idx.msk [tilespmem:v1+s23+$0xFFFFFFE0 ss:$0x1], $0xffff;
	_ =	sdelay $0x1  }
0x42: {  	v6 =	vld.idx.msk [tilespmem:v3+s23+$0x20 ss:$0x1], $0xffff;
	_ =	sdelay $0x2  }
0x43: {  	v4 =	vadd.f32 v5, v4;
	_ =	sdelay $0x1  }
0x44: {  	v4 =	vadd.f32 v6, v4;
	_ =	sdelay $0x1  }
0x45: {  	v5 =	vmul.f32 $9.999999770e-03, v4;
	_ =	sdelay $0x1  }
0x46: {  	v4 =	vmax.f32 v4, v5  }
0x47: {  	[tilespmem:v2+s23+$0x20 ss:$0x1] =	vst.idx.msk $0xffff, v4  }
0x48: {  	v4 =	vld.idx.msk [tilespmem:v0+s23+$0xFFFFFFF0 ss:$0x1], $0xffff  }
0x49: {  	v5 =	vld.idx.msk [tilespmem:v1+s23+$0xFFFFFFF0 ss:$0x1], $0xffff;
	_ =	sdelay $0x1  }
0x4a: {  	v6 =	vld.idx.msk [tilespmem:v3+s23+$0x30 ss:$0x1], $0xffff;
	_ =	sdelay $0x2  }
0x4b: {  	v4 =	vadd.f32 v5, v4;
	_ =	sdelay $0x1  }
0x4c: {  	v4 =	vadd.f32 v6, v4;
	_ =	sdelay $0x1  }
0x4d: {  	v5 =	vmul.f32 $9.999999770e-03, v4;
	_ =	sdelay $0x1  }
0x4e: {  	v4 =	vmax.f32 v4, v5  }
0x4f: {  	[tilespmem:v2+s23+$0x30 ss:$0x1] =	vst.idx.msk $0xffff, v4  }
0x50: {  	v4 =	vld.idx.msk [tilespmem:v0+s23+$0x0 ss:$0x1], $0xffff  }
0x51: {  	v5 =	vld.idx.msk [tilespmem:v1+s23+$0x0 ss:$0x1], $0xffff;
	_ =	sdelay $0x1  }
0x52: {  	v6 =	vld.idx.msk [tilespmem:v3+s23+$0x40 ss:$0x1], $0xffff;
	_ =	sdelay $0x2  }
0x53: {  	v4 =	vadd.f32 v5, v4;
	_ =	sdelay $0x1  }
0x54: {  	v4 =	vadd.f32 v6, v4;
	_ =	sdelay $0x1  }
0x55: {  	v5 =	vmul.f32 $9.999999770e-03, v4;
	_ =	sdelay $0x1  }
0x56: {  	v4 =	vmax.f32 v4, v5  }
0x57: {  	[tilespmem:v2+s23+$0x40 ss:$0x1] =	vst.idx.msk $0xffff, v4  }
0x58: {  	v4 =	vld.idx.msk [tilespmem:v0+s23+$0x10 ss:$0x1], $0xffff  }
0x59: {  	v5 =	vld.idx.msk [tilespmem:v1+s23+$0x10 ss:$0x1], $0xffff;
	_ =	sdelay $0x1  }
0x5a: {  	v6 =	vld.idx.msk [tilespmem:v3+s23+$0x50 ss:$0x1], $0xffff;
	_ =	sdelay $0x2  }
0x5b: {  	v4 =	vadd.f32 v5, v4;
	_ =	sdelay $0x1  }
0x5c: {  	v4 =	vadd.f32 v6, v4;
	_ =	sdelay $0x1  }
0x5d: {  	v5 =	vmul.f32 $9.999999770e-03, v4;
	_ =	sdelay $0x1  }
0x5e: {  	v4 =	vmax.f32 v4, v5  }
0x5f: {  	[tilespmem:v2+s23+$0x50 ss:$0x1] =	vst.idx.msk $0xffff, v4  }
0x60: {  	v4 =	vld.idx.msk [tilespmem:v0+s23+$0x20 ss:$0x1], $0xffff  }
0x61: {  	v5 =	vld.idx.msk [tilespmem:v1+s23+$0x20 ss:$0x1], $0xffff;
	_ =	sdelay $0x1  }
0x62: {  	v6 =	vld.idx.msk [tilespmem:v3+s23+$0x60 ss:$0x1], $0xffff;
	_ =	sdelay $0x2  }
0x63: {  	v4 =	vadd.f32 v5, v4;
	_ =	sdelay $0x1  }
0x64: {  	v4 =	vadd.f32 v6, v4;
	_ =	sdelay $0x1  }
0x65: {  	v5 =	vmul.f32 $9.999999770e-03, v4;
	_ =	sdelay $0x1  }
0x66: {  	v4 =	vmax.f32 v4, v5  }
0x67: {  	[tilespmem:v2+s23+$0x60 ss:$0x1] =	vst.idx.msk $0xffff, v4  }
0x68: {  	v4 =	vld.idx.msk [tilespmem:v0+s23+$0x30 ss:$0x1], $0xffff  }
0x69: {  	v5 =	vld.idx.msk [tilespmem:v1+s23+$0x30 ss:$0x1], $0xffff  }
0x6a: {  	s24 =	simm.s32 $0x200;
	v6 =	vld.idx.msk [tilespmem:v3+s23+$0x70 ss:$0x1], $0xffff  }
.LBB2_3:
0x6b: {  	_ = 	snop  }
0x6c: {  	p1 =	sne.s32 s24, $0x1200;
	s25 =	smov.u32 s24;
	s24 =	sadd.s32 $0x200, s24  }
0x6d: {  	_ = 	snop  }
0x6e: {  	v4 =	vadd.f32 v5, v4;
	_ =	sdelay $0x1  }
0x6f: {  	v4 =	vadd.f32 v6, v4;
	_ =	sdelay $0x1  }
0x70: {  	v5 =	vmul.f32 $9.999999770e-03, v4;
	_ =	sdelay $0x1  }
0x71: {  	s25 =	sshra.s32 s25, $0x2;
	v4 =	vmax.f32 v4, v5  }
0x72: {  	[tilespmem:v2+s23+$0x70 ss:$0x1] =	vst.idx.msk $0xffff, v4;
	s23 =	smov.u32 s25  }
0x73: {  	v4 =	vld.idx.msk [tilespmem:v0+s23+$0xFFFFFFC0 ss:$0x1], $0xffff  }
0x74: {  	v5 =	vld.idx.msk [tilespmem:v1+s23+$0xFFFFFFC0 ss:$0x1], $0xffff  }
0x75: {  	v6 =	vld.idx.msk [tilespmem:v3+s23+$0x0 ss:$0x1], $0xffff;
	_ =	sdelay $0x4  }
0x76: {  	v4 =	vadd.f32 v5, v4;
	_ =	sdelay $0x1  }
0x77: {  	v4 =	vadd.f32 v6, v4;
	_ =	sdelay $0x1  }
0x78: {  	v5 =	vmul.f32 $9.999999770e-03, v4;
	_ =	sdelay $0x1  }
0x79: {  	v4 =	vmax.f32 v4, v5  }
0x7a: {  	[tilespmem:v2+s23+$0x0 ss:$0x1] =	vst.idx.msk $0xffff, v4  }
0x7b: {  	v4 =	vld.idx.msk [tilespmem:v0+s23+$0xFFFFFFD0 ss:$0x1], $0xffff  }
0x7c: {  	v5 =	vld.idx.msk [tilespmem:v1+s23+$0xFFFFFFD0 ss:$0x1], $0xffff;
	_ =	sdelay $0x1  }
0x7d: {  	v6 =	vld.idx.msk [tilespmem:v3+s23+$0x10 ss:$0x1], $0xffff;
	_ =	sdelay $0x3  }
0x7e: {  	v4 =	vadd.f32 v5, v4;
	_ =	sdelay $0x1  }
0x7f: {  	v4 =	vadd.f32 v6, v4;
	_ =	sdelay $0x1  }
0x80: {  	v5 =	vmul.f32 $9.999999770e-03, v4;
	_ =	sdelay $0x1  }
0x81: {  	v4 =	vmax.f32 v4, v5  }
0x82: {  	[tilespmem:v2+s23+$0x10 ss:$0x1] =	vst.idx.msk $0xffff, v4  }
0x83: {  	v4 =	vld.idx.msk [tilespmem:v0+s23+$0xFFFFFFE0 ss:$0x1], $0xffff  }
0x84: {  	v5 =	vld.idx.msk [tilespmem:v1+s23+$0xFFFFFFE0 ss:$0x1], $0xffff;
	_ =	sdelay $0x1  }
0x85: {  	v6 =	vld.idx.msk [tilespmem:v3+s23+$0x20 ss:$0x1], $0xffff;
	_ =	sdelay $0x3  }
0x86: {  	v4 =	vadd.f32 v5, v4;
	_ =	sdelay $0x1  }
0x87: {  	v4 =	vadd.f32 v6, v4;
	_ =	sdelay $0x1  }
0x88: {  	v5 =	vmul.f32 $9.999999770e-03, v4;
	_ =	sdelay $0x1  }
0x89: {  	v4 =	vmax.f32 v4, v5  }
0x8a: {  	[tilespmem:v2+s23+$0x20 ss:$0x1] =	vst.idx.msk $0xffff, v4  }
0x8b: {  	v4 =	vld.idx.msk [tilespmem:v0+s23+$0xFFFFFFF0 ss:$0x1], $0xffff  }
0x8c: {  	v5 =	vld.idx.msk [tilespmem:v1+s23+$0xFFFFFFF0 ss:$0x1], $0xffff  }
0x8d: {  	v6 =	vld.idx.msk [tilespmem:v3+s23+$0x30 ss:$0x1], $0xffff;
	_ =	sdelay $0x4  }
0x8e: {  	v4 =	vadd.f32 v5, v4;
	_ =	sdelay $0x1  }
0x8f: {  	v4 =	vadd.f32 v6, v4;
	_ =	sdelay $0x1  }
0x90: {  	v5 =	vmul.f32 $9.999999770e-03, v4;
	_ =	sdelay $0x1  }
0x91: {  	v4 =	vmax.f32 v4, v5  }
0x92: {  	[tilespmem:v2+s23+$0x30 ss:$0x1] =	vst.idx.msk $0xffff, v4  }
0x93: {  	v4 =	vld.idx.msk [tilespmem:v0+s23+$0x0 ss:$0x1], $0xffff  }
0x94: {  	v5 =	vld.idx.msk [tilespmem:v1+s23+$0x0 ss:$0x1], $0xffff;
	_ =	sdelay $0x1  }
0x95: {  	v6 =	vld.idx.msk [tilespmem:v3+s23+$0x40 ss:$0x1], $0xffff;
	_ =	sdelay $0x3  }
0x96: {  	v4 =	vadd.f32 v5, v4;
	_ =	sdelay $0x1  }
0x97: {  	v4 =	vadd.f32 v6, v4;
	_ =	sdelay $0x1  }
0x98: {  	v5 =	vmul.f32 $9.999999770e-03, v4;
	_ =	sdelay $0x1  }
0x99: {  	v4 =	vmax.f32 v4, v5  }
0x9a: {  	[tilespmem:v2+s23+$0x40 ss:$0x1] =	vst.idx.msk $0xffff, v4  }
0x9b: {  	v4 =	vld.idx.msk [tilespmem:v0+s23+$0x10 ss:$0x1], $0xffff  }
0x9c: {  	v5 =	vld.idx.msk [tilespmem:v1+s23+$0x10 ss:$0x1], $0xffff  }
0x9d: {  	v6 =	vld.idx.msk [tilespmem:v3+s23+$0x50 ss:$0x1], $0xffff;
	_ =	sdelay $0x4  }
0x9e: {  	v4 =	vadd.f32 v5, v4;
	_ =	sdelay $0x1  }
0x9f: {  	v4 =	vadd.f32 v6, v4;
	_ =	sdelay $0x1  }
0xa0: {  	v5 =	vmul.f32 $9.999999770e-03, v4;
	_ =	sdelay $0x1  }
0xa1: {  	v4 =	vmax.f32 v4, v5  }
0xa2: {  	[tilespmem:v2+s23+$0x50 ss:$0x1] =	vst.idx.msk $0xffff, v4  }
0xa3: {  	v4 =	vld.idx.msk [tilespmem:v0+s23+$0x20 ss:$0x1], $0xffff  }
0xa4: {  	v5 =	vld.idx.msk [tilespmem:v1+s23+$0x20 ss:$0x1], $0xffff  }
0xa5: {  	v6 =	vld.idx.msk [tilespmem:v3+s23+$0x60 ss:$0x1], $0xffff;
	_ =	sdelay $0x4  }
0xa6: {  	v4 =	vadd.f32 v5, v4;
	_ =	sdelay $0x1  }
0xa7: {  	v4 =	vadd.f32 v6, v4;
	_ =	sdelay $0x1  }
0xa8: {  	v5 =	vmul.f32 $9.999999770e-03, v4;
	_ =	sdelay $0x1  }
.Ltmp0:
0xa9: {  	v4 =	vmax.f32 v4, v5;
	(pc) =	sbr.rel @p1 .LBB2_3-.Ltmp0, $4  }
0xaa: {  	[tilespmem:v2+s23+$0x60 ss:$0x1] =	vst.idx.msk $0xffff, v4  }
0xab: {  	v4 =	vld.idx.msk [tilespmem:v0+s23+$0x30 ss:$0x1], $0xffff  }
0xac: {  	v5 =	vld.idx.msk [tilespmem:v1+s23+$0x30 ss:$0x1], $0xffff  }
0xad: {  	v6 =	vld.idx.msk [tilespmem:v3+s23+$0x70 ss:$0x1], $0xffff  }
0xae: {  	_ =	sdelay $0x2  }
0xaf: {  	v0 =	vadd.f32 v5, v4;
	_ =	sdelay $0x1  }
0xb0: {  	v0 =	vadd.f32 v6, v0  }
0xb1: {  	s21 =	smul.u32 $0xA, s21  }
0xb2: {  	s22 =	smul.u32 $0x1400, s22;
	v1 =	vmul.f32 $9.999999770e-03, v0  }
0xb3: {  	s21 =	sadd.s32 s7, s21  }
0xb4: {  	p1 =	sne.s32 s20, $0x7D;
	s22 =	sshrl.u32 s22, $0x2;
	s21 =	sshll.u32 s21, $0x4;
	v0 =	vmax.f32 v0, v1  }
.Ltmp1:
0xb5: {  	s22 =	sadd.s32 $0x6C20, s22;
	s21 =	sadd.s32 s6, s21;
	[tilespmem:v2+s23+$0x70 ss:$0x1] =	vst.idx.msk $0xffff, v0;
	(pc) =	sbr.rel @p1 .LBB2_2-.Ltmp1, $4  }
0xb6: {  	[hbm4b:s21+s3] =	stream.linear.scatter [tilespmem:s22], [sflag:$0x2], $0x500, $0x38;
	[tilespmem:$0x7620] =	vst v63  }
0xb7: {  	_ =	swait.ge [sflag:s12], $0x500  }
0xb8: {  	[sflag:s12] =	ssyncset.done $0x0  }
0xb9: {  	p0 =	por !p0, !p0;
	s21 =	smov.u32 s20;
	[sflag:s12] =	ssyncadd.s32 $0xFFFFFB00  }
0xba: {  	s19 =	sadd.s32 $0x1, s19  }
0xbb: {  	p0 =	sne.s32 s19, s11  }
.Ltmp2:
0xbc: {  	_ = 	snop;
	(pc) =	sbr.rel @p0 .LBB2_1-.Ltmp2, $1  }
0xbd: {  	_ =	sdelay $0x3  }
0xbe: {  	_ =	sfence.sel $0x180000  }
0xbf: {  	[bflag:$0x0] =	sbarrier.arrive $0xFFFF  }
0xc0: {  	p0 =	sne.s32 s0, $0x0;
	_ =	strace $0x9000004A  }
0xc1: {  	s0 =	sadd.s32 @!p0 $0x100000, s1;
	[bflag:$0x2] =	sbarrier.arrive $0xFFFF  }
0xc2: {  	[sflag:s0] =	ssyncadd.tile.s32 @!p0 $0x1;
	_ =	shalt  }
.Lfunc_end2:
_tile_overlayer_lowered:
.L_overlay_start_2:
0xc3: {  	(tag) =	ssettag $0x2  }
0xc4: {  	s0 =	rddreg [dreg:$0x0];
	s2 =	stileid.u32  }
0xc5: {  	s1 =	rddreg [dreg:$0x1];
	p0 =	sne.s32 s2, $0x0  }
0xc6: {  	s3 =	rddreg [dreg:$0x2];
	[bflag:$0x3] =	sbarrier.arrive $0xFFFF;
	s2 =	simm.s32 @!p0 $0x1C02  }
0xc7: {  	[timem:s3], [sflag:s2] =	dma.local @!p0 [hbm:s0], s1  }
0xc8: {  	s0 =	simm.s32 @!p0 $0x2  }
0xc9: {  	_ =	swait.ge @!p0 [sflag:s0], s1  }
0xca: {  	s1 =	ssub.s32 @!p0 $0x0, s1;
	[sflag:s0] =	ssyncset.done @!p0 $0x0  }
0xcb: {  	[sflag:s0] =	ssyncadd.s32 @!p0 s1  }
0xcc: {  	[bflag:$0x3] =	sbarrier.arrive $0xFFFF  }
0xcd: {  	_ =	shalt  }

// kernel: kernel.7.cloned.1.call-start
scs
__scs_entry_jumppad:
0x0: {  	(pc) =	sbr.rel $0x88, $3  }
0x1: {  	(tag) =	ssettag $0x0;
	lr =	simm.s32 $0x1  }
0x2: {  	[smem:$0x3F98] =	sst lr;
	_ =	strace $0xD0000000  }
0x3: {  	_ = 	snop  }
0x4: {  	_ = 	snop  }
0x5: {  	_ = 	snop  }
0x6: {  	_ = 	snop  }
0x7: {  	_ = 	snop  }
__scs_overlays_trampoline_lowered:
0x8: {  	[smem:$0x3FA7] =	sst s0  }
0x9: {  	[smem:$0x3FA8] =	sst s1  }
0xa: {  	[smem:$0x3FA9] =	sst s2  }
0xb: {  	[smem:$0x3FAA] =	sst s3  }
0xc: {  	[smem:$0x3FAB] =	sst s4  }
0xd: {  	[smem:$0x3FAC] =	sst s5  }
0xe: {  	[smem:$0x3FAD] =	sst s6  }
0xf: {  	[smem:$0x3FAE] =	sst s7  }
0x10: {  	[smem:$0x3FAF] =	sst s8  }
0x11: {  	[smem:$0x3FB0] =	sst s9;
	s0 =	simm.s32 @!p0 $0x0  }
0x12: {  	s1 =	sld [smem:$0x3F96];
	s0 =	simm.s32 @p0 $0x1  }
0x13: {  	[smem:$0x3FB1] =	sst s0;
	s0 =	simm.s32 @!p1 $0x0  }
0x14: {  	s2 =	sld [smem:$0x3F95];
	s0 =	simm.s32 @p1 $0x1  }
0x15: {  	[smem:$0x3FB2] =	sst s0;
	s0 =	simm.s32 @!p2 $0x0  }
0x16: {  	s3 =	sld [smem:$0x3FDB];
	s0 =	simm.s32 @p2 $0x1  }
0x17: {  	s4 =	simm.s32 $0x1BF5;
	[smem:$0x3FB4] =	sst s0  }
0x18: {  	s0 =	sld [smem:$0x3F97];
	_ =	swait.ge [sflag:s4], $0x0  }
0x19: {  	s7 =	sld [smem:$0x3F98]  }
0x1a: {  	s8 =	sadd.s32 $0xFFFFE003, lr  }
0x1b: {  	s9 =	sadd.s32 $0xFFFFFEF7, lr;
	s5 =	simm.s32 $0xFFFFFFFF;
	p2 =	slt.u32 s8, $0xFFFFF086  }
0x1c: {  	p1 =	slt.u32 s9, $0xF7A;
	s5 =	simm.s32 @!p2 $0x0  }
0x1d: {  	s5 =	simm.s32 @p1 $0x1;
	p0 =	seq.s32 s7, s2  }
0x1e: {  	s7 =	smul.u32 @!p0 $0xF7A, s2;
	p2 =	seq.s32 @!p0 s5, $0x0  }
0x1f: {  	s9 =	smul.u32 $0xF7A, s1;
	s8 =	simm.s32 @!p0 $0x1BF5;
	p2 =	por !p2, p0  }
0x20: {  	[sflag:s8] =	ssyncset.s32 @!p0 $0xFFFFF086;
	s6 =	sadd.s32 @!p0 s3, s7;
	s7 =	simm.s32 @!p0 $0x108  }
0x21: {  	s3 =	sadd.s32 s3, s9;
	s6 =	sadd.s32 @!p0 $0x88, s6;
	s7 =	simm.s32 @p2 $0x1082  }
0x22: {  	[simem:s7], [sflag:s8] =	dma.local @!p0 [hbm:s6], $0xF7A  }
0x23: {  	s9 =	sor.u32 $0xD0000000, s2;
	s6 =	simm.s32 $0x108;
	_ =	swait.ge @!p0 [sflag:s8], $0x0  }
0x24: {  	s3 =	sadd.s32 $0x88, s3;
	s6 =	simm.s32 @!p1 $0x1082;
	[sflag:s4] =	ssyncset.s32 $0xFFFFF086  }
0x25: {  	[simem:s6], [sflag:s4] =	dma.local [hbm:s3], $0xF7A  }
0x26: {  	[smem:$0x3F98] =	sst s1;
	(tag) =	ssettag s2;
	_ =	strace s9  }
0x27: {  	s1 =	sld [smem:$0x3FA8]  }
0x28: {  	s2 =	sld [smem:$0x3FA9]  }
0x29: {  	s4 =	sld [smem:$0x3FAB]  }
0x2a: {  	p0 =	seq.s32 s5, $0x0;
	s5 =	sld [smem:$0x3FAC]  }
0x2b: {  	s6 =	sld [smem:$0x3FAD]  }
0x2c: {  	s7 =	sld [smem:$0x3FAE]  }
0x2d: {  	s3 =	simm.s32 $0x108;
	s8 =	sld [smem:$0x3FAF]  }
0x2e: {  	s3 =	simm.s32 @!p0 $0x1082;
	s9 =	sld [smem:$0x3FB0]  }
0x2f: {  	lr =	sadd.s32 s0, s3;
	s0 =	sld [smem:$0x3FA7]  }
0x30: {  	s3 =	sld [smem:$0x3FAA]  }
0x31: {  	[smem:$0x3FB3] =	sst s10  }
0x32: {  	s10 =	sld [smem:$0x3FB1];
	_ =	sdelay $0x3  }
0x33: {  	p0 =	seq.s32 s10, $0x1;
	s10 =	sld [smem:$0x3FB3];
	_ =	sdelay $0x3  }
0x34: {  	[smem:$0x3FB3] =	sst s10  }
0x35: {  	s10 =	sld [smem:$0x3FB2];
	_ =	sdelay $0x3  }
0x36: {  	p1 =	seq.s32 s10, $0x1;
	s10 =	sld [smem:$0x3FB3];
	_ =	sdelay $0x3  }
0x37: {  	[smem:$0x3FB3] =	sst s10  }
0x38: {  	s10 =	sld [smem:$0x3FB4]  }
0x39: {  	_ = 	snop;
	(pc) =	sbr.ind lr, $3  }
0x3a: {  	_ = 	snop  }
0x3b: {  	_ = 	snop  }
0x3c: {  	p2 =	seq.s32 s10, $0x1;
	s10 =	sld [smem:$0x3FB3]  }
0x3d: {  	_ =	shalt  }
0x3e: {  	_ =	shalt  }
0x3f: {  	_ =	shalt  }
0x40: {  	_ =	shalt  }
0x41: {  	_ =	shalt  }
0x42: {  	_ =	shalt  }
0x43: {  	_ =	shalt  }
0x44: {  	_ =	shalt  }
0x45: {  	_ =	shalt  }
0x46: {  	_ =	shalt  }
0x47: {  	_ =	shalt  }
0x48: {  	_ =	shalt  }
0x49: {  	_ =	shalt  }
0x4a: {  	_ =	shalt  }
0x4b: {  	_ =	shalt  }
0x4c: {  	_ =	shalt  }
0x4d: {  	_ =	shalt  }
0x4e: {  	_ =	shalt  }
0x4f: {  	_ =	shalt  }
0x50: {  	_ =	shalt  }
0x51: {  	_ =	shalt  }
0x52: {  	_ =	shalt  }
0x53: {  	_ =	shalt  }
0x54: {  	_ =	shalt  }
0x55: {  	_ =	shalt  }
0x56: {  	_ =	shalt  }
0x57: {  	_ =	shalt  }
0x58: {  	_ =	shalt  }
0x59: {  	_ =	shalt  }
0x5a: {  	_ =	shalt  }
0x5b: {  	_ =	shalt  }
0x5c: {  	_ =	shalt  }
0x5d: {  	_ =	shalt  }
0x5e: {  	_ =	shalt  }
0x5f: {  	_ =	shalt  }
0x60: {  	_ =	shalt  }
0x61: {  	_ =	shalt  }
0x62: {  	_ =	shalt  }
0x63: {  	_ =	shalt  }
0x64: {  	_ =	shalt  }
0x65: {  	_ =	shalt  }
0x66: {  	_ =	shalt  }
0x67: {  	_ =	shalt  }
0x68: {  	_ =	shalt  }
0x69: {  	_ =	shalt  }
0x6a: {  	_ =	shalt  }
0x6b: {  	_ =	shalt  }
0x6c: {  	_ =	shalt  }
0x6d: {  	_ =	shalt  }
0x6e: {  	_ =	shalt  }
0x6f: {  	_ =	shalt  }
0x70: {  	_ =	shalt  }
0x71: {  	_ =	shalt  }
0x72: {  	_ =	shalt  }
0x73: {  	_ =	shalt  }
0x74: {  	_ =	shalt  }
0x75: {  	_ =	shalt  }
0x76: {  	_ =	shalt  }
0x77: {  	_ =	shalt  }
0x78: {  	_ =	shalt  }
0x79: {  	_ =	shalt  }
0x7a: {  	_ =	shalt  }
0x7b: {  	_ =	shalt  }
0x7c: {  	_ =	shalt  }
0x7d: {  	_ =	shalt  }
0x7e: {  	_ =	shalt  }
0x7f: {  	_ =	shalt  }
0x80: {  	_ =	shalt  }
0x81: {  	_ =	shalt  }
0x82: {  	_ =	shalt  }
0x83: {  	_ =	shalt  }
0x84: {  	_ =	shalt  }
0x85: {  	_ =	shalt  }
0x86: {  	_ =	shalt  }
0x87: {  	_ =	shalt  }
.Lfunc_end0:
.L_simem_size_0:
called_computation_lowered:
.L_overlay_start_0:
0x88: {  	s2 =	sld [smem:$0x3FD9]  }
0x89: {  	s3 =	sld [smem:$0x3FFE];
	_ =	sdelay $0x1  }
0x8a: {  	s1 =	srdreg.scid  }
0x8b: {  	s0 =	sand.u32 $0x1, s1  }
0x8c: {  	s14 =	sshll.u32 s0, $0xA;
	s2 =	sadd.s32 s3, s2  }
0x8d: {  	s2 =	sadd.s32 s2, s14  }
0x8e: {  	[smem:$0x3FBF] =	sst s2  }
0x8f: {  	_ = 	snop  }
0x90: {  	s2 =	sld [smem:$0x3FD0];
	_ =	sdelay $0x2  }
0x91: {  	s15 =	simm.s32 $0xA;
	s4 =	simm.s32 $0x10  }
0x92: {  	[smem:s4], [sflag:s15] =	dma.local [hbm:s2], $0x1  }
0x93: {  	_ =	swait.eq [sflag:s15], $0x1  }
0x94: {  	[sflag:s15] =	ssyncset.done $0x0  }
0x95: {  	[sflag:s15] =	ssyncadd.s32 $0xFFFFFFFF  }
0x96: {  	s16 =	sld [smem:$0x10];
	(tm) =	ssettm $0x1  }
0x97: {  	s17 =	sld [smem:$0x3FFB];
	_ =	sdelay $0x3  }
0x98: {  	_ =	strace s17  }
0x99: {  	s3 =	sld [smem:$0x3FFC];
	_ =	sdelay $0x3  }
0x9a: {  	_ =	strace s3  }
0x9b: {  	s3 =	sld [smem:$0x3FFD];
	_ =	sdelay $0x3  }
0x9c: {  	_ =	strace s3  }
0x9d: {  	_ =	strace $0x8FFFFFFF  }
0x9e: {  	s18 =	sld [smem:$0x3FDB];
	_ =	sdelay $0x1  }
0x9f: {  	s19 =	simm.s32 $_scs_section_size  }
0xa0: {  	s5 =	simm.s32 $_size__tile_overlayer_lowered;
	s6 =	simm.s32 $_tile_overlayer_lowered  }
0xa1: {  	s22 =	simm.s32 $0x1BFF;
	s21 =	sshll.u32 s6, $0x1;
	s3 =	sadd.s32 s19, s18  }
0xa2: {  	s7 =	simm.s32 $0x0;
	s20 =	sshll.u32 s5, $0x1;
	s5 =	sadd.s32 s21, s3  }
0xa3: {  	[timem:s7], [sflag:s22] =	dma.local [hbm:s5], s20  }
0xa4: {  	_ =	swait.ge [sflag:s22], s20  }
0xa5: {  	s4 =	ssub.s32 $0x0, s20;
	[sflag:s22] =	ssyncset.done $0x0  }
0xa6: {  	[sflag:s22] =	ssyncadd.s32 s4;
	_ =	sdelay $0x1  }
0xa7: {  	s23 =	simm.s32 $0x1B8B  }
0xa8: {  	_ =	swait.ge [sflag:s23], $0x1  }
0xa9: {  	[sflag:s23] =	ssyncset.done $0x0  }
0xaa: {  	s25 =	simm.s32 $0x1B8E;
	s24 =	sld [smem:$0x3FFE];
	[sflag:s23] =	ssyncadd.s32 $0xFFFFFFFF  }
0xab: {  	s26 =	simm.s32 $execute0_lowered;
	[smem:$0x3FD2] =	sst s25  }
0xac: {  	s5 =	sshll.u32 s26, $0x1;
	_ =	strace $0x80000046;
	[dreg:$0x1] =	wrdreg $0xFFFFFFFF  }
0xad: {  	s28 =	simm.s32 $_size_execute0_lowered;
	s3 =	sadd.s32 s3, s5;
	[dreg:$0x0] =	wrdreg $0x0  }
0xae: {  	s5 =	sshll.u32 s28, $0x1;
	[dreg:$0x2] =	wrdreg s3  }
0xaf: {  	[dreg:$0x3] =	wrdreg s5  }
0xb0: {  	[dreg:$0x4] =	wrdreg $0xC0  }
0xb1: {  	_ =	task [dreg:s7], $0x5FFFF  }
0xb2: {  	[dreg:$0x1] =	wrdreg $0xFFFFFFFF  }
0xb3: {  	[dreg:$0x0] =	wrdreg $0x60  }
0xb4: {  	[dreg:$0x2] =	wrdreg s24  }
0xb5: {  	[dreg:$0x3] =	wrdreg s16  }
0xb6: {  	[dreg:$0x4] =	wrdreg $0x111400  }
0xb7: {  	[dreg:$0x5] =	wrdreg $0x1B1400  }
0xb8: {  	[dreg:$0x6] =	wrdreg $0x9  }
0xb9: {  	_ =	task.clear_ibuf [dreg:s7], $0x7FFFF;
	_ =	strace $0x90000046  }
0xba: {  	s29 =	simm.s32 $0x9;
	_ =	strace $0x80000048  }
0xbb: {  	_ =	swait.ge [sflag:s29], $0x1  }
0xbc: {  	[sflag:s29] =	ssyncadd.s32 $0xFFFFFFFF  }
0xbd: {  	_ =	strace $0x90000048  }
0xbe: {  	_ =	sfence  }
0xbf: {  	s30 =	sld [smem:$0x0];
	_ =	sdelay $0x2  }
0xc0: {  	s31 =	sshll.u32 s1, $0xD;
	s1 =	sshrl.u32 s1, $0x2  }
0xc1: {  	s3 =	sand.u32 $0x4000, s31;
	s1 =	sadd.s32 s1, s30  }
0xc2: {  	s0 =	sor.u32 s3, s0;
	s1 =	sshll.u32 s1, $0x11  }
0xc3: {  	s0 =	sor.u32 s1, s0  }
0xc4: {  	s0 =	sadd.s32 $0x8F2B, s0  }
0xc5: {  	[sflag:s0] =	ssyncadd.remote.s32 $0x1  }
0xc6: {  	_ =	sfence.sel $0xFFFF  }
0xc7: {  	[dreg:$0x0] =	wrdreg $0xFFFFFFFF;
	(pc) =	sbr.abs _section_cstart, $3  }
0xc8: {  	[dreg:$0x1] =	wrdreg $0xFFFFFFFF  }
0xc9: {  	_ =	task.clear_ibuf [dreg:s7], $0x2FFFF;
	_ =	strace $0x9FFFFFFF  }
0xca: {  	(tm) =	ssettm $0x7FFFFFFF  }
0xcb: {  	_ =	shalt  }
tec
execute0_lowered:
.L_overlay_start_1:
0x0: {  	(tag) =	ssettag $0x1  }
0x1: {  	s0 =	rddreg [dreg:$0x0]  }
0x2: {  	s1 =	rddreg [dreg:$0x1]  }
0x3: {  	s2 =	rddreg [dreg:$0x2];
	s10 =	stileid.u32  }
0x4: {  	s4 =	rddreg [dreg:$0x3];
	s3 =	simm.s32 $0x0;
	s22 =	smul.u32 $0x9C4, s10  }
0x5: {  	s5 =	srdreg.scid;
	s18 =	simm.s32 $0x2;
	s7 =	smul.u32 $0x14000, s10  }
0x6: {  	s20 =	simm.s32 $0xC940;
	s29 =	simm.s32 $0x0;
	s9 =	smul.u32 $0x5000, s10  }
0x7: {  	[smem:$0x7FF] =	sst s3;
	s5 =	sand.u32 $0x1, s5;
	s24 =	smul.u32 $0x28000, s10  }
0x8: {  	s6 =	sadd.s32 $0x15600, s0;
	s13 =	smul.u32 $0xA000, s10;
	_ =	strace $0x80000047  }
0x9: {  	s8 =	sshll.u32 s5, $0x6;
	s23 =	sshll.u32 s5, $0x4;
	s26 =	ssub.s32 $0x2, s5  }
0xa: {  	p0 =	seq.s32 s5, $0x1;
	s3 =	sadd.s32 s22, s0;
	s7 =	sor.u32 s8, s7  }
0xb: {  	s8 =	sor.u32 s23, s9;
	s28 =	sshrl.u32 s26, $0x1;
	s9 =	sshrl.u32 s24, $0x2  }
0xc: {  	s31 =	sshrl.u32 s13, $0x2;
	s23 =	simm.s32 $0x50;
	s24 =	simm.s32 $0x1  }
0xd: {  	s7 =	sshrl.u32 s7, $0x3;
	s25 =	sshrl.u32 s8, $0x3;
	s17 =	ssub.s32 s26, s28  }
0xe: {  	s30 =	sadd.s32 $0xB800, s3;
	s3 =	sadd.s32 $0x1A00, s3;
	s14 =	sadd.s32 s31, s4  }
.Ltmp0:
0xf: {  	s15 =	sadd.s32 s7, s0;
	[dreg:$0x5] =	wrdreg s30;
	(pc) =	sbr.rel .LBB2_1-.Ltmp0, $4  }
0x10: {  	s0 =	sadd.s32 s25, s0;
	s7 =	sadd.s32 s9, s2;
	[dreg:$0x6] =	wrdreg s3  }
0x11: {  	s17 =	smax.u32 s17, $0x1;
	s25 =	simm.s32 $0x3;
	s9 =	simm.s32 $0x9BF0  }
0x12: {  	s10 =	sadd.s32 $0x2000, s7;
	s11 =	sadd.s32 $0x4000, s7;
	s12 =	sadd.s32 $0x6000, s7  }
0x13: {  	v0 =	vimm.f32 $0.0e+00;
	v1 =	vimm.f32 $1.000000000e+00;
	s13 =	sadd.s32 $0x8000, s7;
	s15 =	sadd.s32 $0x33000, s15;
	s16 =	sadd.s32 $0x29000, s0  }
.LBB2_10:
0x14: {  	[spmem:s4] =	stream.indirect.scatter.add.f32 @!p1 [tilespmem:s5], [sflag:$0x2], $0x10, s31, s3, $0xb8;
	[tilespmem:$0x1D940] =	vst v63  }
0x15: {  	_ =	swait.ge @!p1 [sflag:s0], $0x500  }
0x16: {  	s28 =	sshrl.u32 s26, $0x2;
	[sflag:s0] =	ssyncset.done @!p1 $0x0  }
0x17: {  	s3 =	sadd.s32 $0x9C40, s28;
	[sflag:s0] =	ssyncadd.s32 @!p1 $0xFFFFFB00  }
0x18: {  	[tilespmem:s3], [sflag:$0x1] =	stream.indirect.gather [hbm4b:s1+s23], $0x40, s22, s23, $0xb8;
	[tilespmem:$0x1D940] =	vst v63  }
0x19: {  	_ =	swait.ge [sflag:s24], $0x1400  }
0x1a: {  	s30 =	sshrl.u32 s30, $0x2;
	[sflag:s24] =	ssyncset.done $0x0  }
0x1b: {  	s0 =	sadd.s32 $0x9C40, s30;
	s3 =	sadd.s32 $0x50, s21;
	[sflag:s24] =	ssyncadd.s32 $0xFFFFEC00  }
0x1c: {  	[spmem:s2] =	stream.indirect.scatter.add.f32 [tilespmem:s0], [sflag:$0x3], $0x40, s3, s23, $0xb8;
	[tilespmem:$0x1D940] =	vst v63  }
0x1d: {  	p1 =	sgt.u32 s19, $0x7C;
	_ =	swait.ge [sflag:s25], $0x1400  }
0x1e: {  	s5 =	simm.s32 @!p1 $0xC440;
	[sflag:s25] =	ssyncset.done $0x0  }
0x1f: {  	s8 =	simm.s32 @!p1 $0x2;
	s0 =	simm.s32 @!p1 $0x50;
	[sflag:s25] =	ssyncadd.s32 $0xFFFFEC00  }
0x20: {  	[spmem:s4] =	stream.indirect.scatter.add.f32 @!p1 [tilespmem:s5], [sflag:$0x2], $0x10, s3, s0, $0xb8;
	[tilespmem:$0x1D940] =	vst v63  }
0x21: {  	_ =	swait.ge @!p1 [sflag:s8], $0x500  }
0x22: {  	[sflag:s8] =	ssyncset.done @!p1 $0x0  }
0x23: {  	[sflag:s8] =	ssyncadd.s32 @!p1 $0xFFFFFB00  }
0x24: {  	_ =	swait.ge [sflag:s24], $0x1400  }
0x25: {  	[sflag:s24] =	ssyncset.done $0x0  }
0x26: {  	s31 =	simm.s32 $0xB040;
	[sflag:s24] =	ssyncadd.s32 $0xFFFFEC00  }
0x27: {  	[spmem:s2] =	stream.indirect.scatter.add.f32 [tilespmem:s31], [sflag:$0x3], $0x40, s9, s23, $0xb8;
	[tilespmem:$0x1D940] =	vst v63  }
0x28: {  	_ =	swait.ge [sflag:s25], $0x1400  }
0x29: {  	[sflag:s25] =	ssyncset.done $0x0  }
0x2a: {  	[sflag:s25] =	ssyncadd.s32 $0xFFFFEC00  }
.LBB2_14:
0x2b: {  	s0 =	stileid.u32  }
0x2c: {  	[bflag:$0x0] =	sbarrier.arrive $0xFFFF;
	s3 =	sshrl.u32 s7, $0x3;
	s0 =	sshll.u32 s0, $0x6  }
0x2d: {  	s5 =	simm.s32 $0x10;
	s8 =	simm.s32 $0x8;
	s0 =	sor.u32 $0x1C02, s0  }
0x2e: {  	[hbm:s15@s5], [sflag:s0] =	dma.strided [spmem:s3@s8], $0x1400, s24, $0x8   }
0x2f: {  	s29 =	sadd.s32 $0x1, s29;
	_ =	swait.ge [sflag:s18], $0x1400  }
0x30: {  	s30 =	sshrl.u32 s14, $0x3;
	p1 =	sne.s32 s29, s17;
	[sflag:s18] =	ssyncset.done $0x0  }
.Ltmp1:
0x31: {  	s31 =	simm.s32 $0x4;
	[sflag:s18] =	ssyncadd.s32 $0xFFFFEC00;
	(pc) =	sbr.rel @!p1 .LBB2_15-.Ltmp1, $4  }
0x32: {  	[hbm:s16@s31], [sflag:s0] =	dma.strided [spmem:s30@s18], $0x500, s24, $0x2   }
0x33: {  	_ =	swait.ge [sflag:s18], $0x500  }
0x34: {  	[sflag:s18] =	ssyncset.done $0x0  }
0x35: {  	[sflag:s18] =	ssyncadd.s32 $0xFFFFFB00  }
.LBB2_1:
0x36: {  	s3 =	simm.s32 $0x100;
	s0 =	simm.s32 $0x0  }
.LBB2_2:
0x37: {  	p1 =	sne.s32 s3, $0x7F00;
	[tilespmem:s0+$0xC970] =	vst v0;
	s5 =	smov.u32 s3;
	s3 =	sadd.s32 $0x100, s3  }
.Ltmp2:
0x38: {  	[tilespmem:s0+$0xC960] =	vst v0;
	(pc) =	sbr.rel @p1 .LBB2_2-.Ltmp2, $3  }
0x39: {  	[tilespmem:s0+$0xC940] =	vst v0  }
0x3a: {  	[tilespmem:s0+$0xC950] =	vst v0;
	_ =	sdelay $0x1  }
0x3b: {  	s0 =	sshra.s32 s5, $0x2  }
0x3c: {  	[tilespmem:s0+$0xC970] =	vst v0  }
0x3d: {  	[tilespmem:s0+$0xC960] =	vst v0  }
0x3e: {  	[tilespmem:s0+$0xC940] =	vst v0  }
0x3f: {  	[tilespmem:s0+$0xC950] =	vst v0;
	s0 =	simm.s32 $0x40;
	s3 =	simm.s32 $0x0  }
.LBB2_4:
0x40: {  	p1 =	sne.s32 s0, $0x9FC0;
	[tilespmem:s3+$0xE940] =	vst v0;
	s3 =	smov.u32 s0;
	s0 =	sadd.s32 $0x40, s0  }
.Ltmp3:
0x41: {  	(pc) =	sbr.rel @p1 .LBB2_4-.Ltmp3, $2  }
0x42: {  	_ =	sdelay $0x2  }
0x43: {  	s3 =	sshra.s32 s3, $0x2  }
0x44: {  	[tilespmem:s3+$0xE940] =	vst v0;
	s0 =	simm.s32 $0x40;
	s3 =	simm.s32 $0x0  }
.LBB2_6:
0x45: {  	p1 =	sne.s32 s0, $0x13C0;
	[tilespmem:s3+$0xC440] =	vst v1;
	s3 =	smov.u32 s0;
	s0 =	sadd.s32 $0x40, s0  }
.Ltmp4:
0x46: {  	(pc) =	sbr.rel @p1 .LBB2_6-.Ltmp4, $2  }
0x47: {  	_ =	sdelay $0x2  }
0x48: {  	s3 =	sshra.s32 s3, $0x2  }
0x49: {  	[tilespmem:s3+$0xC440] =	vst v1;
	s0 =	simm.s32 $0x0;
	s28 =	rddreg [dreg:$0x5]  }
0x4a: {  	[tilespmem:s0], [sflag:$0x2] =	stream.linear.gather [hbm4b:s28+s0], $0x4E20, $0x38;
	[tilespmem:$0x1D940] =	vst v63  }
0x4b: {  	_ =	swait.ge [sflag:s18], $0x4E20  }
0x4c: {  	[sflag:s18] =	ssyncset.done $0x0  }
0x4d: {  	s30 =	simm.s32 $0x4E20;
	s5 =	rddreg [dreg:$0x6];
	[sflag:s18] =	ssyncadd.s32 $0xFFFFB1E0  }
0x4e: {  	[tilespmem:s30], [sflag:$0x2] =	stream.linear.gather [hbm4b:s5+s0], $0x4E20, $0x38;
	[tilespmem:$0x1D940] =	vst v63  }
0x4f: {  	_ =	swait.ge [sflag:s18], $0x4E20  }
0x50: {  	[sflag:s18] =	ssyncset.done $0x0  }
0x51: {  	[sflag:s18] =	ssyncadd.s32 $0xFFFFB1E0  }
0x52: {  	[spmem:s7] =	stream.linear.scatter [tilespmem:s20], [sflag:$0x2], $0x2000, $0x38;
	[tilespmem:$0x1D940] =	vst v63  }
0x53: {  	_ =	swait.ge [sflag:s18], $0x2000  }
0x54: {  	[sflag:s18] =	ssyncset.done $0x0  }
0x55: {  	[sflag:s18] =	ssyncadd.s32 $0xFFFFE000  }
0x56: {  	[spmem:s10] =	stream.linear.scatter [tilespmem:s20], [sflag:$0x2], $0x2000, $0x38;
	[tilespmem:$0x1D940] =	vst v63  }
0x57: {  	_ =	swait.ge [sflag:s18], $0x2000  }
0x58: {  	[sflag:s18] =	ssyncset.done $0x0  }
0x59: {  	[sflag:s18] =	ssyncadd.s32 $0xFFFFE000  }
0x5a: {  	[spmem:s11] =	stream.linear.scatter [tilespmem:s20], [sflag:$0x2], $0x2000, $0x38;
	[tilespmem:$0x1D940] =	vst v63  }
0x5b: {  	_ =	swait.ge [sflag:s18], $0x2000  }
0x5c: {  	[sflag:s18] =	ssyncset.done $0x0  }
0x5d: {  	[sflag:s18] =	ssyncadd.s32 $0xFFFFE000  }
0x5e: {  	[spmem:s12] =	stream.linear.scatter [tilespmem:s20], [sflag:$0x2], $0x2000, $0x38;
	[tilespmem:$0x1D940] =	vst v63  }
0x5f: {  	_ =	swait.ge [sflag:s18], $0x2000  }
0x60: {  	[sflag:s18] =	ssyncset.done $0x0  }
0x61: {  	[sflag:s18] =	ssyncadd.s32 $0xFFFFE000  }
0x62: {  	[spmem:s13] =	stream.linear.scatter [tilespmem:s20], [sflag:$0x2], $0x2000, $0x38;
	[tilespmem:$0x1D940] =	vst v63  }
0x63: {  	_ =	swait.ge [sflag:s18], $0x2000  }
0x64: {  	[sflag:s18] =	ssyncset.done $0x0  }
0x65: {  	s31 =	simm.s32 $0xE940;
	[sflag:s18] =	ssyncadd.s32 $0xFFFFE000  }
0x66: {  	[spmem:s14] =	stream.linear.scatter [tilespmem:s31], [sflag:$0x2], $0x2800, $0x38;
	[tilespmem:$0x1D940] =	vst v63  }
.Ltmp5:
0x67: {  	_ =	swait.ge [sflag:s18], $0x2800;
	(pc) =	sbr.rel @!p0 .LBB2_8-.Ltmp5, $4  }
0x68: {  	[sflag:s18] =	ssyncset.done $0x0  }
0x69: {  	s0 =	simm.s32 $0x0;
	[sflag:s18] =	ssyncadd.s32 $0xFFFFD800  }
0x6a: {  	s3 =	sand.u32 $0x1, s0;
	[bflag:$0x0] =	sbarrier.arrive $0xFFFF  }
0x6b: {  	s5 =	sxor.u32 $0x1, s3  }
0x6c: {  	s8 =	simm.s32 $0x50;
	s5 =	smul.u32 $0x5000, s5;
	s19 =	simm.s32 $0x9C40  }
0x6d: {  	[tilespmem:s19], [sflag:$0x1] =	stream.indirect.gather [hbm4b:s6+s8], $0x40, s0, s8, $0xb8;
	[tilespmem:$0x1D940] =	vst v63  }
0x6e: {  	s3 =	smul.u32 $0x5000, s3;
	s21 =	simm.s32 $0x4E20;
	s5 =	sshrl.u32 s5, $0x2  }
0x6f: {  	s28 =	simm.s32 $0x2;
	s22 =	simm.s32 $0xA0;
	s0 =	sadd.s32 $0x9C40, s5  }
0x70: {  	[tilespmem:s0], [sflag:$0x1] =	stream.indirect.gather [hbm4b:s6+s23], $0x40, s8, s23, $0xb8;
	[tilespmem:$0x1D940] =	vst v63  }
0x71: {  	p1 =	por $0x1, $0x1;
	s31 =	simm.s32 $0x4E20;
	_ =	swait.ge [sflag:s24], $0x1400  }
0x72: {  	s19 =	simm.s32 $0x1;
	s8 =	sshrl.u32 s3, $0x2;
	[sflag:s24] =	ssyncset.done $0x0  }
0x73: {  	s9 =	sand.u32 $0x1, s19;
	s0 =	sadd.s32 $0x9C40, s8;
	[sflag:s24] =	ssyncadd.s32 $0xFFFFEC00  }
0x74: {  	[spmem:s2] =	stream.indirect.scatter.add.f32 [tilespmem:s0], [sflag:$0x3], $0x40, s21, s23, $0xb8;
	[tilespmem:$0x1D940] =	vst v63  }
0x75: {  	s26 =	sxor.u32 $0x1, s9;
	s30 =	smul.u32 $0x5000, s9;
	_ =	swait.ge [sflag:s25], $0x1400  }
0x76: {  	s5 =	simm.s32 @!p1 $0xC440;
	s26 =	smul.u32 $0x5000, s26;
	[sflag:s25] =	ssyncset.done $0x0  }
0x77: {  	s3 =	simm.s32 @!p1 $0x50;
	s0 =	simm.s32 @!p1 $0x2;
	[sflag:s25] =	ssyncadd.s32 $0xFFFFEC00  }
.LBB2_12:
0x78: {  	s8 =	sshrl.u32 s26, $0x2;
	s21 =	sadd.s32 $0x50, s21  }
0x79: {  	s26 =	smov.u32 s19;
	s19 =	smov.u32 s28;
	s28 =	sadd.s32 $0x1, s28  }
0x7a: {  	[spmem:s4] =	stream.indirect.scatter.add.f32 @!p1 [tilespmem:s5], [sflag:$0x2], $0x10, s31, s3, $0xb8;
	[tilespmem:$0x1D940] =	vst v63  }
0x7b: {  	p2 =	sne.s32 s28, $0xF9;
	s31 =	smov.u32 s21;
	_ =	swait.ge @!p1 [sflag:s0], $0x500  }
0x7c: {  	[sflag:s0] =	ssyncset.done @!p1 $0x0  }
0x7d: {  	s3 =	sadd.s32 $0x9C40, s8;
	s5 =	sshrl.u32 s30, $0x2;
	[sflag:s0] =	ssyncadd.s32 @!p1 $0xFFFFFB00  }
0x7e: {  	[tilespmem:s3], [sflag:$0x1] =	stream.indirect.gather [hbm4b:s6+s23], $0x40, s22, s23, $0xb8;
	[tilespmem:$0x1D940] =	vst v63  }
0x7f: {  	s0 =	sadd.s32 $0x9C40, s5;
	_ =	swait.ge [sflag:s24], $0x1400  }
0x80: {  	p1 =	slt.u32 s26, $0x7D;
	s22 =	sadd.s32 $0x50, s22;
	[sflag:s24] =	ssyncset.done $0x0  }
.Ltmp6:
0x81: {  	s3 =	sand.u32 $0x1, s19;
	[sflag:s24] =	ssyncadd.s32 $0xFFFFEC00;
	(pc) =	sbr.rel @p2 .LBB2_12-.Ltmp6, $4  }
0x82: {  	[spmem:s2] =	stream.indirect.scatter.add.f32 [tilespmem:s0], [sflag:$0x3], $0x40, s21, s23, $0xb8;
	[tilespmem:$0x1D940] =	vst v63  }
0x83: {  	s30 =	smul.u32 $0x5000, s3;
	s0 =	sxor.u32 $0x1, s3;
	_ =	swait.ge [sflag:s25], $0x1400  }
0x84: {  	s3 =	simm.s32 @!p1 $0x50;
	s26 =	smul.u32 $0x5000, s0;
	[sflag:s25] =	ssyncset.done $0x0  }
0x85: {  	s5 =	simm.s32 @!p1 $0xC440;
	s0 =	simm.s32 @!p1 $0x2;
	[sflag:s25] =	ssyncadd.s32 $0xFFFFEC00  }
0x86: {  	[spmem:s4] =	stream.indirect.scatter.add.f32 @!p1 [tilespmem:s5], [sflag:$0x2], $0x10, s31, s3, $0xb8;
	[tilespmem:$0x1D940] =	vst v63  }
0x87: {  	_ =	swait.ge @!p1 [sflag:s0], $0x500  }
0x88: {  	s9 =	sshrl.u32 s26, $0x2;
	[sflag:s0] =	ssyncset.done @!p1 $0x0  }
0x89: {  	s3 =	sadd.s32 $0x9C40, s9;
	[sflag:s0] =	ssyncadd.s32 @!p1 $0xFFFFFB00  }
0x8a: {  	[tilespmem:s3], [sflag:$0x1] =	stream.indirect.gather [hbm4b:s6+s23], $0x40, s22, s23, $0xb8;
	[tilespmem:$0x1D940] =	vst v63  }
0x8b: {  	_ =	swait.ge [sflag:s24], $0x1400  }
0x8c: {  	s26 =	sshrl.u32 s30, $0x2;
	[sflag:s24] =	ssyncset.done $0x0  }
0x8d: {  	s0 =	sadd.s32 $0x9C40, s26;
	s3 =	sadd.s32 $0x50, s21;
	[sflag:s24] =	ssyncadd.s32 $0xFFFFEC00  }
0x8e: {  	[spmem:s2] =	stream.indirect.scatter.add.f32 [tilespmem:s0], [sflag:$0x3], $0x40, s3, s23, $0xb8;
	[tilespmem:$0x1D940] =	vst v63  }
0x8f: {  	p1 =	slt.u32 s19, $0x7D;
	_ =	swait.ge [sflag:s25], $0x1400  }
0x90: {  	s5 =	simm.s32 @!p1 $0xC440;
	[sflag:s25] =	ssyncset.done $0x0  }
0x91: {  	s8 =	simm.s32 @!p1 $0x2;
	s0 =	simm.s32 @!p1 $0x50;
	[sflag:s25] =	ssyncadd.s32 $0xFFFFEC00  }
0x92: {  	[spmem:s4] =	stream.indirect.scatter.add.f32 @!p1 [tilespmem:s5], [sflag:$0x2], $0x10, s3, s0, $0xb8;
	[tilespmem:$0x1D940] =	vst v63  }
0x93: {  	_ =	swait.ge @!p1 [sflag:s8], $0x500  }
0x94: {  	[sflag:s8] =	ssyncset.done @!p1 $0x0  }
0x95: {  	[sflag:s8] =	ssyncadd.s32 @!p1 $0xFFFFFB00  }
0x96: {  	_ =	swait.ge [sflag:s24], $0x1400  }
0x97: {  	[sflag:s24] =	ssyncset.done $0x0  }
0x98: {  	s28 =	simm.s32 $0x9BF0;
	s30 =	simm.s32 $0xB040;
	[sflag:s24] =	ssyncadd.s32 $0xFFFFEC00  }
0x99: {  	[spmem:s2] =	stream.indirect.scatter.add.f32 [tilespmem:s30], [sflag:$0x3], $0x40, s28, s23, $0xb8;
	[tilespmem:$0x1D940] =	vst v63  }
0x9a: {  	_ =	swait.ge [sflag:s25], $0x1400  }
0x9b: {  	[sflag:s25] =	ssyncset.done $0x0  }
.Ltmp7:
0x9c: {  	s31 =	simm.s32 $0xC440;
	[sflag:s25] =	ssyncadd.s32 $0xFFFFEC00;
	(pc) =	sbr.rel .LBB2_14-.Ltmp7, $4  }
0x9d: {  	[spmem:s4] =	stream.indirect.scatter.add.f32 [tilespmem:s31], [sflag:$0x2], $0x10, s28, s23, $0xb8;
	[tilespmem:$0x1D940] =	vst v63  }
0x9e: {  	_ =	swait.ge [sflag:s18], $0x500  }
0x9f: {  	[sflag:s18] =	ssyncset.done $0x0  }
0xa0: {  	s9 =	simm.s32 $0x9BF0;
	[sflag:s18] =	ssyncadd.s32 $0xFFFFFB00  }
.LBB2_8:
0xa1: {  	s19 =	simm.s32 $0x50;
	s5 =	smul.u32 $0x5000, s5;
	s8 =	simm.s32 $0x9C40  }
0xa2: {  	[tilespmem:s8], [sflag:$0x1] =	stream.indirect.gather [hbm4b:s1+s19], $0x40, s0, s19, $0xb8;
	[tilespmem:$0x1D940] =	vst v63  }
0xa3: {  	s3 =	smul.u32 $0x5000, s3;
	s21 =	simm.s32 $0x4E20;
	s26 =	sshrl.u32 s5, $0x2  }
0xa4: {  	s28 =	simm.s32 $0x2;
	s22 =	simm.s32 $0xA0;
	s0 =	sadd.s32 $0x9C40, s26  }
0xa5: {  	[tilespmem:s0], [sflag:$0x1] =	stream.indirect.gather [hbm4b:s1+s23], $0x40, s19, s23, $0xb8;
	[tilespmem:$0x1D940] =	vst v63  }
0xa6: {  	p1 =	por $0x0, $0x0;
	s31 =	simm.s32 $0x4E20;
	_ =	swait.ge [sflag:s24], $0x1400  }
0xa7: {  	s5 =	sshrl.u32 s3, $0x2;
	s19 =	simm.s32 $0x1;
	[sflag:s24] =	ssyncset.done $0x0  }
0xa8: {  	s0 =	sadd.s32 $0x9C40, s5;
	s8 =	sand.u32 $0x1, s19;
	[sflag:s24] =	ssyncadd.s32 $0xFFFFEC00  }
0xa9: {  	[spmem:s2] =	stream.indirect.scatter.add.f32 [tilespmem:s0], [sflag:$0x3], $0x40, s21, s23, $0xb8;
	[tilespmem:$0x1D940] =	vst v63  }
0xaa: {  	s3 =	simm.s32 @!p1 $0x50;
	s26 =	sxor.u32 $0x1, s8;
	_ =	swait.ge [sflag:s25], $0x1400  }
0xab: {  	s5 =	simm.s32 @!p1 $0xC440;
	s26 =	smul.u32 $0x5000, s26;
	[sflag:s25] =	ssyncset.done $0x0  }
0xac: {  	s30 =	smul.u32 $0x5000, s8;
	s0 =	simm.s32 @!p1 $0x2;
	[sflag:s25] =	ssyncadd.s32 $0xFFFFEC00  }
.LBB2_9:
0xad: {  	s26 =	sshrl.u32 s26, $0x2;
	s21 =	sadd.s32 $0x50, s21  }
0xae: {  	s8 =	smov.u32 s19;
	s19 =	smov.u32 s28;
	s28 =	sadd.s32 $0x1, s28  }
0xaf: {  	[spmem:s4] =	stream.indirect.scatter.add.f32 @!p1 [tilespmem:s5], [sflag:$0x2], $0x10, s31, s3, $0xb8;
	[tilespmem:$0x1D940] =	vst v63  }
0xb0: {  	p2 =	seq.s32 s28, $0xF9;
	s31 =	smov.u32 s21;
	_ =	swait.ge @!p1 [sflag:s0], $0x500  }
0xb1: {  	[sflag:s0] =	ssyncset.done @!p1 $0x0  }
0xb2: {  	s3 =	sadd.s32 $0x9C40, s26;
	s5 =	sshrl.u32 s30, $0x2;
	[sflag:s0] =	ssyncadd.s32 @!p1 $0xFFFFFB00  }
0xb3: {  	[tilespmem:s3], [sflag:$0x1] =	stream.indirect.gather [hbm4b:s1+s23], $0x40, s22, s23, $0xb8;
	[tilespmem:$0x1D940] =	vst v63  }
0xb4: {  	s0 =	sadd.s32 $0x9C40, s5;
	_ =	swait.ge [sflag:s24], $0x1400  }
0xb5: {  	p1 =	sgt.u32 s8, $0x7C;
	s22 =	sadd.s32 $0x50, s22;
	[sflag:s24] =	ssyncset.done $0x0  }
.Ltmp8:
0xb6: {  	s3 =	sand.u32 $0x1, s19;
	[sflag:s24] =	ssyncadd.s32 $0xFFFFEC00;
	(pc) =	sbr.rel @!p2 .LBB2_9-.Ltmp8, $4  }
0xb7: {  	[spmem:s2] =	stream.indirect.scatter.add.f32 [tilespmem:s0], [sflag:$0x3], $0x40, s21, s23, $0xb8;
	[tilespmem:$0x1D940] =	vst v63  }
0xb8: {  	s30 =	smul.u32 $0x5000, s3;
	s0 =	sxor.u32 $0x1, s3;
	_ =	swait.ge [sflag:s25], $0x1400  }
0xb9: {  	s3 =	simm.s32 @!p1 $0x50;
	s26 =	smul.u32 $0x5000, s0;
	[sflag:s25] =	ssyncset.done $0x0  }
0xba: {  	s5 =	simm.s32 @!p1 $0xC440;
	s0 =	simm.s32 @!p1 $0x2;
	[sflag:s25] =	ssyncadd.s32 $0xFFFFEC00  }
.Ltmp9:
0xbb: {  	_ = 	snop;
	(pc) =	sbr.rel .LBB2_10-.Ltmp9, $1  }
0xbc: {  	_ =	sdelay $0x3  }
.LBB2_15:
0xbd: {  	_ =	sfence.sel $0x180000  }
0xbe: {  	[bflag:$0x0] =	sbarrier.arrive $0xFFFF  }
0xbf: {  	_ =	strace $0x90000047  }
0xc0: {  	s0 =	stileid.u32;
	[bflag:$0x2] =	sbarrier.arrive $0xFFFF  }
0xc1: {  	p0 =	sne.s32 s0, $0x0;
	s0 =	rddreg [dreg:$0x4]  }
0xc2: {  	s0 =	sadd.s32 @!p0 $0x100000, s0  }
0xc3: {  	[sflag:s0] =	ssyncadd.tile.s32 @!p0 $0x1;
	_ =	shalt  }
.Lfunc_end2:
_tile_overlayer_lowered:
.L_overlay_start_2:
0xc4: {  	(tag) =	ssettag $0x2  }
0xc5: {  	s0 =	rddreg [dreg:$0x0];
	s2 =	stileid.u32  }
0xc6: {  	s1 =	rddreg [dreg:$0x1];
	p0 =	sne.s32 s2, $0x0  }
0xc7: {  	s3 =	rddreg [dreg:$0x2];
	[bflag:$0x3] =	sbarrier.arrive $0xFFFF;
	s2 =	simm.s32 @!p0 $0x1C02  }
0xc8: {  	[timem:s3], [sflag:s2] =	dma.local @!p0 [hbm:s0], s1  }
0xc9: {  	s0 =	simm.s32 @!p0 $0x2  }
0xca: {  	_ =	swait.ge @!p0 [sflag:s0], s1  }
0xcb: {  	s1 =	ssub.s32 @!p0 $0x0, s1;
	[sflag:s0] =	ssyncset.done @!p0 $0x0  }
0xcc: {  	[sflag:s0] =	ssyncadd.s32 @!p0 s1  }
0xcd: {  	[bflag:$0x3] =	sbarrier.arrive $0xFFFF  }
0xce: {  	_ =	shalt  }

</sc_bundles>
